<compile_context>
chip_gen: v7x
topology: tpu7x:2x2x1
jax: 0.10.2.dev20260603
libtpu: 0.0.44.dev20260713+nightly
codegen_flags: <defaults>
</compile_context>

<pallas_src>
import functools

import jax
import jax.numpy as jnp
from jax import lax
from jax.experimental import pallas as pl
from jax.experimental.pallas import tpu as pltpu
from jax.experimental.pallas import tpu_sc as plsc

N_NODES = 10000
M_NBR = 32
ATOM = 128
NBR = 16
WIDTH = 2 * ATOM + 2 * NBR
EDGES = N_NODES * M_NBR

TILE_N = 200
GRID_N = N_NODES // TILE_N
TILE_E = TILE_N * M_NBR

PQ_TILE = 2000

NW = 32
E_PER_W = EDGES // NW
CHUNK = 40
NBUF = 10
N_GROUPS = E_PER_W // (CHUNK * NBUF)
EPS = 1e-5


def _softplus(x):
    return jnp.logaddexp(0.0, x)



def _pq_body(atom_ref, wp_ref, p_ref):
    p_ref[...] = jnp.dot(
        atom_ref[...], wp_ref[...], preferred_element_type=jnp.float32
    )


def _pq(atom, wpT):
    grid = N_NODES // PQ_TILE
    return pl.pallas_call(
        _pq_body,
        grid=(grid,),
        in_specs=[
            pl.BlockSpec((PQ_TILE, ATOM), lambda i: (i, 0)),
            pl.BlockSpec((ATOM, WIDTH), lambda i: (0, 0)),
        ],
        out_specs=pl.BlockSpec((PQ_TILE, WIDTH), lambda i: (i, 0)),
        out_shape=jax.ShapeDtypeStruct((N_NODES, WIDTH), jnp.float32),
    )(atom, wpT)



def _sc_gather_body(tab_hbm, idx_hbm, out_hbm, idx_all, bufs, sem_g, sem_s):
    wid = lax.axis_index("s") * 2 + lax.axis_index("c")
    base = wid * E_PER_W
    pltpu.sync_copy(idx_hbm.at[pl.ds(base, E_PER_W)], idx_all)

    def gather(c, b):
        return pltpu.make_async_copy(
            tab_hbm.at[idx_all.at[pl.ds(c * CHUNK, CHUNK)]], bufs.at[b], sem_g
        )

    def store(c, b):
        return pltpu.make_async_copy(
            bufs.at[b], out_hbm.at[pl.ds(base + c * CHUNK, CHUNK)], sem_s
        )

    def group(g, carry):
        @pl.when(g > 0)
        def _():
            for b in range(NBUF):
                store(0, b).wait()
        for b in range(NBUF):
            gather(g * NBUF + b, b).start()
        for b in range(NBUF):
            gather(g * NBUF + b, b).wait()
            store(g * NBUF + b, b).start()
        return carry

    lax.fori_loop(0, N_GROUPS, group, 0)
    for b in range(NBUF):
        store(0, b).wait()


def _sc_gather(atom, idx_flat):
    mesh = plsc.VectorSubcoreMesh(core_axis_name="c", subcore_axis_name="s")
    fn = functools.partial(
        pl.kernel,
        mesh=mesh,
        out_type=jax.ShapeDtypeStruct((EDGES, ATOM), jnp.float32),
        scratch_types=[
            pltpu.VMEM((E_PER_W,), jnp.int32),
            pltpu.VMEM((NBUF, CHUNK, ATOM), jnp.float32),
            pltpu.SemaphoreType.DMA,
            pltpu.SemaphoreType.DMA,
        ],
    )(_sc_gather_body)
    return fn(atom, idx_flat)



def _edge_y(p_ref, ag_ref, nbr_ref, wq_ref, wc_ref):
    qg = jnp.dot(ag_ref[...], wq_ref[...], preferred_element_type=jnp.float32)
    r = jnp.dot(
        nbr_ref[...].reshape(TILE_E, NBR), wc_ref[...],
        preferred_element_type=jnp.float32,
    )
    pb = jnp.broadcast_to(
        p_ref[...][:, None, :], (TILE_N, M_NBR, WIDTH)
    ).reshape(TILE_E, WIDTH)
    return pb + qg + r



def _stats_body(p_ref, ag_ref, nbr_ref, wq_ref, wc_ref, s_ref, ss_ref):
    y = _edge_y(p_ref, ag_ref, nbr_ref, wq_ref, wc_ref)

    @pl.when(pl.program_id(0) == 0)
    def _():
        s_ref[...] = jnp.zeros_like(s_ref)
        ss_ref[...] = jnp.zeros_like(ss_ref)

    s_ref[...] += jnp.sum(y, axis=0, keepdims=True)
    ss_ref[...] += jnp.sum(y * y, axis=0, keepdims=True)


def _stats():
    return pl.pallas_call(
        _stats_body,
        grid=(GRID_N,),
        in_specs=[
            pl.BlockSpec((TILE_N, WIDTH), lambda i: (i, 0)),
            pl.BlockSpec((TILE_E, ATOM), lambda i: (i, 0)),
            pl.BlockSpec((TILE_N, M_NBR, NBR), lambda i: (i, 0, 0)),
            pl.BlockSpec((ATOM, WIDTH), lambda i: (0, 0)),
            pl.BlockSpec((NBR, WIDTH), lambda i: (0, 0)),
        ],
        out_specs=[
            pl.BlockSpec((1, WIDTH), lambda i: (0, 0)),
            pl.BlockSpec((1, WIDTH), lambda i: (0, 0)),
        ],
        out_shape=[
            jax.ShapeDtypeStruct((1, WIDTH), jnp.float32),
            jax.ShapeDtypeStruct((1, WIDTH), jnp.float32),
        ],
    )



def _apply_body(p_ref, ag_ref, nbr_ref, wq_ref, wc_ref, scale_ref, shift_ref,
                asum_ref, out2_ref, s2_ref, ss2_ref):
    y = _edge_y(p_ref, ag_ref, nbr_ref, wq_ref, wc_ref)
    z = y * scale_ref[...] + shift_ref[...]

    af = jax.nn.sigmoid(z[:, :ATOM])
    ac = _softplus(z[:, ATOM:2 * ATOM])
    asum = jnp.sum((af * ac).reshape(TILE_N, M_NBR, ATOM), axis=1)
    asum_ref[...] = asum

    @pl.when(pl.program_id(0) == 0)
    def _():
        s2_ref[...] = jnp.zeros_like(s2_ref)
        ss2_ref[...] = jnp.zeros_like(ss2_ref)

    s2_ref[...] += jnp.sum(asum, axis=0, keepdims=True)
    ss2_ref[...] += jnp.sum(asum * asum, axis=0, keepdims=True)

    zbt = z[:, 2 * ATOM:].T
    gt = jax.nn.sigmoid(zbt[:NBR, :]) * _softplus(zbt[NBR:, :])
    nbrt = nbr_ref[...].reshape(TILE_E, NBR).T
    out2_ref[...] = _softplus(nbrt + gt).T.reshape(TILE_N, M_NBR, NBR)


def _apply():
    return pl.pallas_call(
        _apply_body,
        grid=(GRID_N,),
        in_specs=[
            pl.BlockSpec((TILE_N, WIDTH), lambda i: (i, 0)),
            pl.BlockSpec((TILE_E, ATOM), lambda i: (i, 0)),
            pl.BlockSpec((TILE_N, M_NBR, NBR), lambda i: (i, 0, 0)),
            pl.BlockSpec((ATOM, WIDTH), lambda i: (0, 0)),
            pl.BlockSpec((NBR, WIDTH), lambda i: (0, 0)),
            pl.BlockSpec((1, WIDTH), lambda i: (0, 0)),
            pl.BlockSpec((1, WIDTH), lambda i: (0, 0)),
        ],
        out_specs=[
            pl.BlockSpec((TILE_N, ATOM), lambda i: (i, 0)),
            pl.BlockSpec((TILE_N, M_NBR, NBR), lambda i: (i, 0, 0)),
            pl.BlockSpec((1, ATOM), lambda i: (0, 0)),
            pl.BlockSpec((1, ATOM), lambda i: (0, 0)),
        ],
        out_shape=[
            jax.ShapeDtypeStruct((N_NODES, ATOM), jnp.float32),
            jax.ShapeDtypeStruct((N_NODES, M_NBR, NBR), jnp.float32),
            jax.ShapeDtypeStruct((1, ATOM), jnp.float32),
            jax.ShapeDtypeStruct((1, ATOM), jnp.float32),
        ],
    )



def _out1_body(atom_ref, asum_ref, sc2_ref, sh2_ref, out_ref):
    out_ref[...] = _softplus(
        atom_ref[...] + asum_ref[...] * sc2_ref[...] + sh2_ref[...]
    )


def _out1(atom, asum, scale2, shift2):
    grid = N_NODES // PQ_TILE
    return pl.pallas_call(
        _out1_body,
        grid=(grid,),
        in_specs=[
            pl.BlockSpec((PQ_TILE, ATOM), lambda i: (i, 0)),
            pl.BlockSpec((PQ_TILE, ATOM), lambda i: (i, 0)),
            pl.BlockSpec((1, ATOM), lambda i: (0, 0)),
            pl.BlockSpec((1, ATOM), lambda i: (0, 0)),
        ],
        out_specs=pl.BlockSpec((PQ_TILE, ATOM), lambda i: (i, 0)),
        out_shape=jax.ShapeDtypeStruct((N_NODES, ATOM), jnp.float32),
    )(atom, asum, scale2, shift2)



def kernel(atom_in_fea, nbr_fea, nbr_fea_idx, W1, W2, g1a, b1a, g1b, b1b, g2a, b2a):
    wcat = jnp.concatenate([W1, W2], axis=0)
    wpT = wcat[:, :ATOM].T
    wqT = wcat[:, ATOM:2 * ATOM].T
    wcT = wcat[:, 2 * ATOM:].T
    gamma = jnp.concatenate([g1a, g1b])[None, :]
    beta = jnp.concatenate([b1a, b1b])[None, :]

    p = _pq(atom_in_fea, wpT)
    ag = _sc_gather(atom_in_fea, nbr_fea_idx.reshape(-1))

    s, ss = _stats()(p, ag, nbr_fea, wqT, wcT)
    mean = s / EDGES
    var = ss / EDGES - mean * mean
    scale = gamma * lax.rsqrt(var + EPS)
    shift = beta - mean * scale

    asum, out2, s2, ss2 = _apply()(p, ag, nbr_fea, wqT, wcT, scale, shift)
    mean2 = s2 / N_NODES
    var2 = ss2 / N_NODES - mean2 * mean2
    scale2 = g2a[None, :] * lax.rsqrt(var2 + EPS)
    shift2 = b2a[None, :] - mean2 * scale2

    out1 = _out1(atom_in_fea, asum, scale2, shift2)
    return (out1, out2)

# --- scband reference (transcript-rebuilt; emitter-appended) ---
"""Pipeline reference for scband-conv-layer-67937792688478 (READ-ONLY COPY).

The authoritative reference and input builder live on the scoring server;
editing this copy changes nothing except your own understanding.
"""

import jax, jax.numpy as jnp
import numpy as np

N, M = 10000, 32
ATOM, NBR = 128, 16


def _softplus(x):
    return jnp.logaddexp(0.0, x)


def _bn(x, gamma, beta, eps=1e-5):
    # torch BatchNorm1d in training mode: biased batch variance
    mean = jnp.mean(x, axis=0)
    var = jnp.var(x, axis=0)
    return (x - mean) / jnp.sqrt(var + eps) * gamma + beta


def setup_inputs(seed: int = 0) -> dict:
    key = jax.random.key(seed)
    k = jax.random.split(key, 6)
    atom_in_fea = jax.random.normal(k[0], (N, ATOM), dtype=jnp.float32)
    nbr_fea = jax.random.normal(k[1], (N, M, NBR), dtype=jnp.float32)
    nbr_fea_idx = jax.random.randint(k[2], (N, M), 0, N, dtype=jnp.int32)
    W1 = jax.random.normal(k[3], (2 * ATOM, 2 * ATOM + NBR), dtype=jnp.float32) * 0.05
    W2 = jax.random.normal(k[4], (2 * NBR, 2 * ATOM + NBR), dtype=jnp.float32) * 0.05
    return {
        "atom_in_fea": atom_in_fea,
        "nbr_fea": nbr_fea,
        "nbr_fea_idx": nbr_fea_idx,
        "W1": W1,
        "W2": W2,
        "g1a": jnp.ones(2 * ATOM, jnp.float32),
        "b1a": jnp.zeros(2 * ATOM, jnp.float32),
        "g1b": jnp.ones(2 * NBR, jnp.float32),
        "b1b": jnp.zeros(2 * NBR, jnp.float32),
        "g2a": jnp.ones(ATOM, jnp.float32),
        "b2a": jnp.zeros(ATOM, jnp.float32),
    }


def reference(atom_in_fea, nbr_fea, nbr_fea_idx, W1, W2, g1a, b1a, g1b, b1b, g2a, b2a):
    n, m = nbr_fea_idx.shape
    # gather neighbor atom features: [N, M, ATOM]
    atom_nbr_fea = jnp.take(atom_in_fea, nbr_fea_idx, axis=0)
    self_fea = jnp.broadcast_to(atom_in_fea[:, None, :], (n, m, ATOM))
    total_nbr_fea = jnp.concatenate([self_fea, atom_nbr_fea, nbr_fea], axis=2)
    # atom branch
    total_gated_atom = total_nbr_fea @ W1.T
    total_gated_atom = _bn(total_gated_atom.reshape(-1, 2 * ATOM), g1a, b1a).reshape(n, m, 2 * ATOM)
    atom_filter, atom_core = jnp.split(total_gated_atom, 2, axis=2)
    atom_filter = jax.nn.sigmoid(atom_filter)
    atom_core = _softplus(atom_core)
    atom_sumed = jnp.sum(atom_filter * atom_core, axis=1)
    atom_sumed = _bn(atom_sumed, g2a, b2a)
    out1 = _softplus(atom_in_fea + atom_sumed)
    # bond branch
    total_gated_bond = total_nbr_fea @ W2.T
    total_gated_bond = _bn(total_gated_bond.reshape(-1, 2 * NBR), g1b, b1b).reshape(n, m, 2 * NBR)
    bond_filter, bond_core = jnp.split(total_gated_bond, 2, axis=2)
    bond_filter = jax.nn.sigmoid(bond_filter)
    bond_core = _softplus(bond_core)
    bond_sumed = bond_filter * bond_core
    out2 = _softplus(nbr_fea + bond_sumed)
    return (out1, out2)

if __name__ == "__main__":
    import jax
    _d = setup_inputs()
    print(jax.jit(kernel)(*tuple(_d.values())))

</pallas_src>

<mosaic_0001>
#map = affine_map<(d0, d1) -> (0, 0)>
#map1 = affine_map<(d0, d1) -> (0)>
module attributes {stable_mosaic.version = 14 : i64} {
  func.func @_sc_gather_body(%arg0: i32, %arg1: i32, %arg2: memref<10000x128xf32, #tpu.memory_space<hbm>>, %arg3: memref<320000xi32, #tpu.memory_space<hbm>>, %arg4: memref<320000x128xf32, #tpu.memory_space<hbm>>, %arg5: memref<10000xi32, #tpu.memory_space<vmem>>, %arg6: memref<10x40x128xf32, #tpu.memory_space<vmem>>, %arg7: memref<!tpu.dma_semaphore, #tpu.memory_space<semaphore_mem>>, %arg8: memref<!tpu.dma_semaphore, #tpu.memory_space<semaphore_mem>>) attributes {dimension_semantics = [#tpu.dimension_semantics<core_parallel>, #tpu.dimension_semantics<subcore_parallel>], iteration_bounds = array<i64: 2, 16>, scalar_prefetch = 0 : i64, scratch_operands = 4 : i64, tpu.core_type = #tpu.core_type<sc_vector_subcore>, window_params = [{transform_indices = #map}, {transform_indices = #map1}, {transform_indices = #map}]} {
    %mul3A = arith.constant 2 : i32
    %mul3A_0 = arith.muli %arg1, %mul3A : i32
    %add3A = arith.addi %mul3A_0, %arg0 : i32
    %mul3A_1 = arith.constant 10000 : i32
    %mul3A_2 = arith.muli %add3A, %mul3A_1 : i32
    "tpu.region"() ({
      %run_scoped3A = tpu.sem_alloc : memref<!tpu.dma_semaphore, #tpu.memory_space<semaphore_mem>>
      %dma_start3A = tpu.memref_slice %arg3[%mul3A_2] : memref<320000xi32, #tpu.memory_space<hbm>> -> memref<10000xi32, #tpu.memory_space<hbm>>
      %dma_start3A_157 = tpu.memref_slice %arg3[%mul3A_2] : memref<320000xi32, #tpu.memory_space<hbm>> -> memref<10000xi32, #tpu.memory_space<hbm>>
      tpu.enqueue_dma source(%dma_start3A_157 : memref<10000xi32, #tpu.memory_space<hbm>>) target(%arg5 : memref<10000xi32, #tpu.memory_space<vmem>>) target_semaphore(%run_scoped3A : memref<!tpu.dma_semaphore, #tpu.memory_space<semaphore_mem>>)
      %dma_wait3A_158 = tpu.memref_slice %arg3[%mul3A_2] : memref<320000xi32, #tpu.memory_space<hbm>> -> memref<10000xi32, #tpu.memory_space<hbm>>
      %dma_wait3A_159 = tpu.memref_slice %arg3[%mul3A_2] : memref<320000xi32, #tpu.memory_space<hbm>> -> memref<10000xi32, #tpu.memory_space<hbm>>
      tpu.wait_dma2 semaphore(%run_scoped3A : memref<!tpu.dma_semaphore, #tpu.memory_space<semaphore_mem>>) src(%dma_wait3A_159 : memref<10000xi32, #tpu.memory_space<hbm>>) dst(%arg5 : memref<10000xi32, #tpu.memory_space<vmem>>)
      tpu.yield
    }) : () -> ()
    %scan3A = arith.constant 0 : i32
    %scan3A_3 = arith.constant 0 : i32
    %scan3A_4 = arith.constant 25 : i32
    %scan3A_5 = arith.addi %scan3A_3, %scan3A_4 : i32
    %scan3A_6 = arith.constant 1 : i32
    scf.for %scan3A_157 = %scan3A_3 to %scan3A_5 step %scan3A_6  : i32 {
      %gt3A = arith.constant 0 : i32
      %gt3A_158 = arith.cmpi sgt, %scan3A_157, %gt3A : i32
      %convert_element_type3A = arith.extui %gt3A_158 : i1 to i32
      %cond3A = arith.constant 0 : i32
      %cond3A_159 = arith.cmpi ne, %convert_element_type3A, %cond3A : i32
      scf.if %cond3A_159 {
        %add3A_659 = arith.constant 0 : i32
        %add3A_660 = arith.addi %mul3A_2, %add3A_659 : i32
        %dma_wait3A_661 = arith.constant 0 : i32
        %dma_wait3A_662 = arith.constant 0 : i32
        %dma_wait3A_663 = arith.constant 0 : i32
        %dma_wait3A_664 = tpu.memref_slice %arg6[%dma_wait3A_661, %dma_wait3A_662, %dma_wait3A_663] : memref<10x40x128xf32, #tpu.memory_space<vmem>> -> memref<1x40x128xf32, #tpu.memory_space<vmem>>
        %dma_wait3A_665 = tpu.memref_squeeze %dma_wait3A_664 : memref<1x40x128xf32, #tpu.memory_space<vmem>> -> memref<40x128xf32, #tpu.memory_space<vmem>>
        %dma_wait3A_666 = arith.constant 0 : i32
        %dma_wait3A_667 = tpu.memref_slice %arg4[%add3A_660, %dma_wait3A_666] : memref<320000x128xf32, #tpu.memory_space<hbm>> -> memref<40x128xf32, #tpu.memory_space<hbm>>
        %dma_wait3A_668 = arith.constant 0 : i32
        %dma_wait3A_669 = tpu.memref_slice %arg4[%add3A_660, %dma_wait3A_668] : memref<320000x128xf32, #tpu.memory_space<hbm>> -> memref<40x128xf32, #tpu.memory_space<hbm>>
        %dma_wait3A_670 = arith.constant 0 : i32
        %dma_wait3A_671 = arith.constant 0 : i32
        %dma_wait3A_672 = tpu.memref_slice %arg6[%dma_wait3A_661, %dma_wait3A_670, %dma_wait3A_671] : memref<10x40x128xf32, #tpu.memory_space<vmem>> -> memref<1x40x128xf32, #tpu.memory_space<vmem>>
        %dma_wait3A_673 = tpu.memref_squeeze %dma_wait3A_672 : memref<1x40x128xf32, #tpu.memory_space<vmem>> -> memref<40x128xf32, #tpu.memory_space<vmem>>
        tpu.wait_dma2 semaphore(%arg8 : memref<!tpu.dma_semaphore, #tpu.memory_space<semaphore_mem>>) src(%dma_wait3A_673 : memref<40x128xf32, #tpu.memory_space<vmem>>) dst(%dma_wait3A_669 : memref<40x128xf32, #tpu.memory_space<hbm>>)
        %add3A_674 = arith.constant 0 : i32
        %add3A_675 = arith.addi %mul3A_2, %add3A_674 : i32
        %dma_wait3A_676 = arith.constant 1 : i32
        %dma_wait3A_677 = arith.constant 0 : i32
        %dma_wait3A_678 = arith.constant 0 : i32
        %dma_wait3A_679 = tpu.memref_slice %arg6[%dma_wait3A_676, %dma_wait3A_677, %dma_wait3A_678] : memref<10x40x128xf32, #tpu.memory_space<vmem>> -> memref<1x40x128xf32, #tpu.memory_space<vmem>>
        %dma_wait3A_680 = tpu.memref_squeeze %dma_wait3A_679 : memref<1x40x128xf32, #tpu.memory_space<vmem>> -> memref<40x128xf32, #tpu.memory_space<vmem>>
        %dma_wait3A_681 = arith.constant 0 : i32
        %dma_wait3A_682 = tpu.memref_slice %arg4[%add3A_675, %dma_wait3A_681] : memref<320000x128xf32, #tpu.memory_space<hbm>> -> memref<40x128xf32, #tpu.memory_space<hbm>>
        %dma_wait3A_683 = arith.constant 0 : i32
        %dma_wait3A_684 = tpu.memref_slice %arg4[%add3A_675, %dma_wait3A_683] : memref<320000x128xf32, #tpu.memory_space<hbm>> -> memref<40x128xf32, #tpu.memory_space<hbm>>
        %dma_wait3A_685 = arith.constant 0 : i32
        %dma_wait3A_686 = arith.constant 0 : i32
        %dma_wait3A_687 = tpu.memref_slice %arg6[%dma_wait3A_676, %dma_wait3A_685, %dma_wait3A_686] : memref<10x40x128xf32, #tpu.memory_space<vmem>> -> memref<1x40x128xf32, #tpu.memory_space<vmem>>
        %dma_wait3A_688 = tpu.memref_squeeze %dma_wait3A_687 : memref<1x40x128xf32, #tpu.memory_space<vmem>> -> memref<40x128xf32, #tpu.memory_space<vmem>>
        tpu.wait_dma2 semaphore(%arg8 : memref<!tpu.dma_semaphore, #tpu.memory_space<semaphore_mem>>) src(%dma_wait3A_688 : memref<40x128xf32, #tpu.memory_space<vmem>>) dst(%dma_wait3A_684 : memref<40x128xf32, #tpu.memory_space<hbm>>)
        %add3A_689 = arith.constant 0 : i32
        %add3A_690 = arith.addi %mul3A_2, %add3A_689 : i32
        %dma_wait3A_691 = arith.constant 2 : i32
        %dma_wait3A_692 = arith.constant 0 : i32
        %dma_wait3A_693 = arith.constant 0 : i32
        %dma_wait3A_694 = tpu.memref_slice %arg6[%dma_wait3A_691, %dma_wait3A_692, %dma_wait3A_693] : memref<10x40x128xf32, #tpu.memory_space<vmem>> -> memref<1x40x128xf32, #tpu.memory_space<vmem>>
        %dma_wait3A_695 = tpu.memref_squeeze %dma_wait3A_694 : memref<1x40x128xf32, #tpu.memory_space<vmem>> -> memref<40x128xf32, #tpu.memory_space<vmem>>
        %dma_wait3A_696 = arith.constant 0 : i32
        %dma_wait3A_697 = tpu.memref_slice %arg4[%add3A_690, %dma_wait3A_696] : memref<320000x128xf32, #tpu.memory_space<hbm>> -> memref<40x128xf32, #tpu.memory_space<hbm>>
        %dma_wait3A_698 = arith.constant 0 : i32
        %dma_wait3A_699 = tpu.memref_slice %arg4[%add3A_690, %dma_wait3A_698] : memref<320000x128xf32, #tpu.memory_space<hbm>> -> memref<40x128xf32, #tpu.memory_space<hbm>>
        %dma_wait3A_700 = arith.constant 0 : i32
        %dma_wait3A_701 = arith.constant 0 : i32
        %dma_wait3A_702 = tpu.memref_slice %arg6[%dma_wait3A_691, %dma_wait3A_700, %dma_wait3A_701] : memref<10x40x128xf32, #tpu.memory_space<vmem>> -> memref<1x40x128xf32, #tpu.memory_space<vmem>>
        %dma_wait3A_703 = tpu.memref_squeeze %dma_wait3A_702 : memref<1x40x128xf32, #tpu.memory_space<vmem>> -> memref<40x128xf32, #tpu.memory_space<vmem>>
        tpu.wait_dma2 semaphore(%arg8 : memref<!tpu.dma_semaphore, #tpu.memory_space<semaphore_mem>>) src(%dma_wait3A_703 : memref<40x128xf32, #tpu.memory_space<vmem>>) dst(%dma_wait3A_699 : memref<40x128xf32, #tpu.memory_space<hbm>>)
        %add3A_704 = arith.constant 0 : i32
        %add3A_705 = arith.addi %mul3A_2, %add3A_704 : i32
        %dma_wait3A_706 = arith.constant 3 : i32
        %dma_wait3A_707 = arith.constant 0 : i32
        %dma_wait3A_708 = arith.constant 0 : i32
        %dma_wait3A_709 = tpu.memref_slice %arg6[%dma_wait3A_706, %dma_wait3A_707, %dma_wait3A_708] : memref<10x40x128xf32, #tpu.memory_space<vmem>> -> memref<1x40x128xf32, #tpu.memory_space<vmem>>
        %dma_wait3A_710 = tpu.memref_squeeze %dma_wait3A_709 : memref<1x40x128xf32, #tpu.memory_space<vmem>> -> memref<40x128xf32, #tpu.memory_space<vmem>>
        %dma_wait3A_711 = arith.constant 0 : i32
        %dma_wait3A_712 = tpu.memref_slice %arg4[%add3A_705, %dma_wait3A_711] : memref<320000x128xf32, #tpu.memory_space<hbm>> -> memref<40x128xf32, #tpu.memory_space<hbm>>
        %dma_wait3A_713 = arith.constant 0 : i32
        %dma_wait3A_714 = tpu.memref_slice %arg4[%add3A_705, %dma_wait3A_713] : memref<320000x128xf32, #tpu.memory_space<hbm>> -> memref<40x128xf32, #tpu.memory_space<hbm>>
        %dma_wait3A_715 = arith.constant 0 : i32
        %dma_wait3A_716 = arith.constant 0 : i32
        %dma_wait3A_717 = tpu.memref_slice %arg6[%dma_wait3A_706, %dma_wait3A_715, %dma_wait3A_716] : memref<10x40x128xf32, #tpu.memory_space<vmem>> -> memref<1x40x128xf32, #tpu.memory_space<vmem>>
        %dma_wait3A_718 = tpu.memref_squeeze %dma_wait3A_717 : memref<1x40x128xf32, #tpu.memory_space<vmem>> -> memref<40x128xf32, #tpu.memory_space<vmem>>
        tpu.wait_dma2 semaphore(%arg8 : memref<!tpu.dma_semaphore, #tpu.memory_space<semaphore_mem>>) src(%dma_wait3A_718 : memref<40x128xf32, #tpu.memory_space<vmem>>) dst(%dma_wait3A_714 : memref<40x128xf32, #tpu.memory_space<hbm>>)
        %add3A_719 = arith.constant 0 : i32
        %add3A_720 = arith.addi %mul3A_2, %add3A_719 : i32
        %dma_wait3A_721 = arith.constant 4 : i32
        %dma_wait3A_722 = arith.constant 0 : i32
        %dma_wait3A_723 = arith.constant 0 : i32
        %dma_wait3A_724 = tpu.memref_slice %arg6[%dma_wait3A_721, %dma_wait3A_722, %dma_wait3A_723] : memref<10x40x128xf32, #tpu.memory_space<vmem>> -> memref<1x40x128xf32, #tpu.memory_space<vmem>>
        %dma_wait3A_725 = tpu.memref_squeeze %dma_wait3A_724 : memref<1x40x128xf32, #tpu.memory_space<vmem>> -> memref<40x128xf32, #tpu.memory_space<vmem>>
        %dma_wait3A_726 = arith.constant 0 : i32
        %dma_wait3A_727 = tpu.memref_slice %arg4[%add3A_720, %dma_wait3A_726] : memref<320000x128xf32, #tpu.memory_space<hbm>> -> memref<40x128xf32, #tpu.memory_space<hbm>>
        %dma_wait3A_728 = arith.constant 0 : i32
        %dma_wait3A_729 = tpu.memref_slice %arg4[%add3A_720, %dma_wait3A_728] : memref<320000x128xf32, #tpu.memory_space<hbm>> -> memref<40x128xf32, #tpu.memory_space<hbm>>
        %dma_wait3A_730 = arith.constant 0 : i32
        %dma_wait3A_731 = arith.constant 0 : i32
        %dma_wait3A_732 = tpu.memref_slice %arg6[%dma_wait3A_721, %dma_wait3A_730, %dma_wait3A_731] : memref<10x40x128xf32, #tpu.memory_space<vmem>> -> memref<1x40x128xf32, #tpu.memory_space<vmem>>
        %dma_wait3A_733 = tpu.memref_squeeze %dma_wait3A_732 : memref<1x40x128xf32, #tpu.memory_space<vmem>> -> memref<40x128xf32, #tpu.memory_space<vmem>>
        tpu.wait_dma2 semaphore(%arg8 : memref<!tpu.dma_semaphore, #tpu.memory_space<semaphore_mem>>) src(%dma_wait3A_733 : memref<40x128xf32, #tpu.memory_space<vmem>>) dst(%dma_wait3A_729 : memref<40x128xf32, #tpu.memory_space<hbm>>)
        %add3A_734 = arith.constant 0 : i32
        %add3A_735 = arith.addi %mul3A_2, %add3A_734 : i32
        %dma_wait3A_736 = arith.constant 5 : i32
        %dma_wait3A_737 = arith.constant 0 : i32
        %dma_wait3A_738 = arith.constant 0 : i32
        %dma_wait3A_739 = tpu.memref_slice %arg6[%dma_wait3A_736, %dma_wait3A_737, %dma_wait3A_738] : memref<10x40x128xf32, #tpu.memory_space<vmem>> -> memref<1x40x128xf32, #tpu.memory_space<vmem>>
        %dma_wait3A_740 = tpu.memref_squeeze %dma_wait3A_739 : memref<1x40x128xf32, #tpu.memory_space<vmem>> -> memref<40x128xf32, #tpu.memory_space<vmem>>
        %dma_wait3A_741 = arith.constant 0 : i32
        %dma_wait3A_742 = tpu.memref_slice %arg4[%add3A_735, %dma_wait3A_741] : memref<320000x128xf32, #tpu.memory_space<hbm>> -> memref<40x128xf32, #tpu.memory_space<hbm>>
        %dma_wait3A_743 = arith.constant 0 : i32
        %dma_wait3A_744 = tpu.memref_slice %arg4[%add3A_735, %dma_wait3A_743] : memref<320000x128xf32, #tpu.memory_space<hbm>> -> memref<40x128xf32, #tpu.memory_space<hbm>>
        %dma_wait3A_745 = arith.constant 0 : i32
        %dma_wait3A_746 = arith.constant 0 : i32
        %dma_wait3A_747 = tpu.memref_slice %arg6[%dma_wait3A_736, %dma_wait3A_745, %dma_wait3A_746] : memref<10x40x128xf32, #tpu.memory_space<vmem>> -> memref<1x40x128xf32, #tpu.memory_space<vmem>>
        %dma_wait3A_748 = tpu.memref_squeeze %dma_wait3A_747 : memref<1x40x128xf32, #tpu.memory_space<vmem>> -> memref<40x128xf32, #tpu.memory_space<vmem>>
        tpu.wait_dma2 semaphore(%arg8 : memref<!tpu.dma_semaphore, #tpu.memory_space<semaphore_mem>>) src(%dma_wait3A_748 : memref<40x128xf32, #tpu.memory_space<vmem>>) dst(%dma_wait3A_744 : memref<40x128xf32, #tpu.memory_space<hbm>>)
        %add3A_749 = arith.constant 0 : i32
        %add3A_750 = arith.addi %mul3A_2, %add3A_749 : i32
        %dma_wait3A_751 = arith.constant 6 : i32
        %dma_wait3A_752 = arith.constant 0 : i32
        %dma_wait3A_753 = arith.constant 0 : i32
        %dma_wait3A_754 = tpu.memref_slice %arg6[%dma_wait3A_751, %dma_wait3A_752, %dma_wait3A_753] : memref<10x40x128xf32, #tpu.memory_space<vmem>> -> memref<1x40x128xf32, #tpu.memory_space<vmem>>
        %dma_wait3A_755 = tpu.memref_squeeze %dma_wait3A_754 : memref<1x40x128xf32, #tpu.memory_space<vmem>> -> memref<40x128xf32, #tpu.memory_space<vmem>>
        %dma_wait3A_756 = arith.constant 0 : i32
        %dma_wait3A_757 = tpu.memref_slice %arg4[%add3A_750, %dma_wait3A_756] : memref<320000x128xf32, #tpu.memory_space<hbm>> -> memref<40x128xf32, #tpu.memory_space<hbm>>
        %dma_wait3A_758 = arith.constant 0 : i32
        %dma_wait3A_759 = tpu.memref_slice %arg4[%add3A_750, %dma_wait3A_758] : memref<320000x128xf32, #tpu.memory_space<hbm>> -> memref<40x128xf32, #tpu.memory_space<hbm>>
        %dma_wait3A_760 = arith.constant 0 : i32
        %dma_wait3A_761 = arith.constant 0 : i32
        %dma_wait3A_762 = tpu.memref_slice %arg6[%dma_wait3A_751, %dma_wait3A_760, %dma_wait3A_761] : memref<10x40x128xf32, #tpu.memory_space<vmem>> -> memref<1x40x128xf32, #tpu.memory_space<vmem>>
        %dma_wait3A_763 = tpu.memref_squeeze %dma_wait3A_762 : memref<1x40x128xf32, #tpu.memory_space<vmem>> -> memref<40x128xf32, #tpu.memory_space<vmem>>
        tpu.wait_dma2 semaphore(%arg8 : memref<!tpu.dma_semaphore, #tpu.memory_space<semaphore_mem>>) src(%dma_wait3A_763 : memref<40x128xf32, #tpu.memory_space<vmem>>) dst(%dma_wait3A_759 : memref<40x128xf32, #tpu.memory_space<hbm>>)
        %add3A_764 = arith.constant 0 : i32
        %add3A_765 = arith.addi %mul3A_2, %add3A_764 : i32
        %dma_wait3A_766 = arith.constant 7 : i32
        %dma_wait3A_767 = arith.constant 0 : i32
        %dma_wait3A_768 = arith.constant 0 : i32
        %dma_wait3A_769 = tpu.memref_slice %arg6[%dma_wait3A_766, %dma_wait3A_767, %dma_wait3A_768] : memref<10x40x128xf32, #tpu.memory_space<vmem>> -> memref<1x40x128xf32, #tpu.memory_space<vmem>>
        %dma_wait3A_770 = tpu.memref_squeeze %dma_wait3A_769 : memref<1x40x128xf32, #tpu.memory_space<vmem>> -> memref<40x128xf32, #tpu.memory_space<vmem>>
        %dma_wait3A_771 = arith.constant 0 : i32
        %dma_wait3A_772 = tpu.memref_slice %arg4[%add3A_765, %dma_wait3A_771] : memref<320000x128xf32, #tpu.memory_space<hbm>> -> memref<40x128xf32, #tpu.memory_space<hbm>>
        %dma_wait3A_773 = arith.constant 0 : i32
        %dma_wait3A_774 = tpu.memref_slice %arg4[%add3A_765, %dma_wait3A_773] : memref<320000x128xf32, #tpu.memory_space<hbm>> -> memref<40x128xf32, #tpu.memory_space<hbm>>
        %dma_wait3A_775 = arith.constant 0 : i32
        %dma_wait3A_776 = arith.constant 0 : i32
        %dma_wait3A_777 = tpu.memref_slice %arg6[%dma_wait3A_766, %dma_wait3A_775, %dma_wait3A_776] : memref<10x40x128xf32, #tpu.memory_space<vmem>> -> memref<1x40x128xf32, #tpu.memory_space<vmem>>
        %dma_wait3A_778 = tpu.memref_squeeze %dma_wait3A_777 : memref<1x40x128xf32, #tpu.memory_space<vmem>> -> memref<40x128xf32, #tpu.memory_space<vmem>>
        tpu.wait_dma2 semaphore(%arg8 : memref<!tpu.dma_semaphore, #tpu.memory_space<semaphore_mem>>) src(%dma_wait3A_778 : memref<40x128xf32, #tpu.memory_space<vmem>>) dst(%dma_wait3A_774 : memref<40x128xf32, #tpu.memory_space<hbm>>)
        %add3A_779 = arith.constant 0 : i32
        %add3A_780 = arith.addi %mul3A_2, %add3A_779 : i32
        %dma_wait3A_781 = arith.constant 8 : i32
        %dma_wait3A_782 = arith.constant 0 : i32
        %dma_wait3A_783 = arith.constant 0 : i32
        %dma_wait3A_784 = tpu.memref_slice %arg6[%dma_wait3A_781, %dma_wait3A_782, %dma_wait3A_783] : memref<10x40x128xf32, #tpu.memory_space<vmem>> -> memref<1x40x128xf32, #tpu.memory_space<vmem>>
        %dma_wait3A_785 = tpu.memref_squeeze %dma_wait3A_784 : memref<1x40x128xf32, #tpu.memory_space<vmem>> -> memref<40x128xf32, #tpu.memory_space<vmem>>
        %dma_wait3A_786 = arith.constant 0 : i32
        %dma_wait3A_787 = tpu.memref_slice %arg4[%add3A_780, %dma_wait3A_786] : memref<320000x128xf32, #tpu.memory_space<hbm>> -> memref<40x128xf32, #tpu.memory_space<hbm>>
        %dma_wait3A_788 = arith.constant 0 : i32
        %dma_wait3A_789 = tpu.memref_slice %arg4[%add3A_780, %dma_wait3A_788] : memref<320000x128xf32, #tpu.memory_space<hbm>> -> memref<40x128xf32, #tpu.memory_space<hbm>>
        %dma_wait3A_790 = arith.constant 0 : i32
        %dma_wait3A_791 = arith.constant 0 : i32
        %dma_wait3A_792 = tpu.memref_slice %arg6[%dma_wait3A_781, %dma_wait3A_790, %dma_wait3A_791] : memref<10x40x128xf32, #tpu.memory_space<vmem>> -> memref<1x40x128xf32, #tpu.memory_space<vmem>>
        %dma_wait3A_793 = tpu.memref_squeeze %dma_wait3A_792 : memref<1x40x128xf32, #tpu.memory_space<vmem>> -> memref<40x128xf32, #tpu.memory_space<vmem>>
        tpu.wait_dma2 semaphore(%arg8 : memref<!tpu.dma_semaphore, #tpu.memory_space<semaphore_mem>>) src(%dma_wait3A_793 : memref<40x128xf32, #tpu.memory_space<vmem>>) dst(%dma_wait3A_789 : memref<40x128xf32, #tpu.memory_space<hbm>>)
        %add3A_794 = arith.constant 0 : i32
        %add3A_795 = arith.addi %mul3A_2, %add3A_794 : i32
        %dma_wait3A_796 = arith.constant 9 : i32
        %dma_wait3A_797 = arith.constant 0 : i32
        %dma_wait3A_798 = arith.constant 0 : i32
        %dma_wait3A_799 = tpu.memref_slice %arg6[%dma_wait3A_796, %dma_wait3A_797, %dma_wait3A_798] : memref<10x40x128xf32, #tpu.memory_space<vmem>> -> memref<1x40x128xf32, #tpu.memory_space<vmem>>
        %dma_wait3A_800 = tpu.memref_squeeze %dma_wait3A_799 : memref<1x40x128xf32, #tpu.memory_space<vmem>> -> memref<40x128xf32, #tpu.memory_space<vmem>>
        %dma_wait3A_801 = arith.constant 0 : i32
        %dma_wait3A_802 = tpu.memref_slice %arg4[%add3A_795, %dma_wait3A_801] : memref<320000x128xf32, #tpu.memory_space<hbm>> -> memref<40x128xf32, #tpu.memory_space<hbm>>
        %dma_wait3A_803 = arith.constant 0 : i32
        %dma_wait3A_804 = tpu.memref_slice %arg4[%add3A_795, %dma_wait3A_803] : memref<320000x128xf32, #tpu.memory_space<hbm>> -> memref<40x128xf32, #tpu.memory_space<hbm>>
        %dma_wait3A_805 = arith.constant 0 : i32
        %dma_wait3A_806 = arith.constant 0 : i32
        %dma_wait3A_807 = tpu.memref_slice %arg6[%dma_wait3A_796, %dma_wait3A_805, %dma_wait3A_806] : memref<10x40x128xf32, #tpu.memory_space<vmem>> -> memref<1x40x128xf32, #tpu.memory_space<vmem>>
        %dma_wait3A_808 = tpu.memref_squeeze %dma_wait3A_807 : memref<1x40x128xf32, #tpu.memory_space<vmem>> -> memref<40x128xf32, #tpu.memory_space<vmem>>
        tpu.wait_dma2 semaphore(%arg8 : memref<!tpu.dma_semaphore, #tpu.memory_space<semaphore_mem>>) src(%dma_wait3A_808 : memref<40x128xf32, #tpu.memory_space<vmem>>) dst(%dma_wait3A_804 : memref<40x128xf32, #tpu.memory_space<hbm>>)
      } else {
      }
      %mul3A_160 = arith.constant 10 : i32
      %mul3A_161 = arith.muli %scan3A_157, %mul3A_160 : i32
      %add3A_162 = arith.constant 0 : i32
      %add3A_163 = arith.addi %mul3A_161, %add3A_162 : i32
      %mul3A_164 = arith.constant 40 : i32
      %mul3A_165 = arith.muli %add3A_163, %mul3A_164 : i32
      %dma_start3A = arith.constant 0 : i32
      %dma_start3A_166 = arith.constant 0 : i32
      %dma_start3A_167 = arith.constant 0 : i32
      %dma_start3A_168 = tpu.memref_slice %arg6[%dma_start3A, %dma_start3A_166, %dma_start3A_167] : memref<10x40x128xf32, #tpu.memory_space<vmem>> -> memref<1x40x128xf32, #tpu.memory_space<vmem>>
      %dma_start3A_169 = tpu.memref_squeeze %dma_start3A_168 : memref<1x40x128xf32, #tpu.memory_space<vmem>> -> memref<40x128xf32, #tpu.memory_space<vmem>>
      %dma_start3A_170 = tpu.memref_slice %arg5[%mul3A_165] : memref<10000xi32, #tpu.memory_space<vmem>> -> memref<40xi32, #tpu.memory_space<vmem>>
      %dma_start3A_171 = arith.constant 0 : i32
      %dma_start3A_172 = arith.constant 0 : i32
      %dma_start3A_173 = tpu.memref_slice %arg2[%dma_start3A_171, %dma_start3A_172] : memref<10000x128xf32, #tpu.memory_space<hbm>> -> memref<10000x128xf32, #tpu.memory_space<hbm>>
      tpu.enqueue_indirect_dma source(%dma_start3A_173 : memref<10000x128xf32, #tpu.memory_space<hbm>>) target(%dma_start3A_169 : memref<40x128xf32, #tpu.memory_space<vmem>>) offsets(%dma_start3A_170 : memref<40xi32, #tpu.memory_space<vmem>>) semaphore(%arg7 : memref<!tpu.dma_semaphore, #tpu.memory_space<semaphore_mem>>)
      %mul3A_174 = arith.constant 10 : i32
      %mul3A_175 = arith.muli %scan3A_157, %mul3A_174 : i32
      %add3A_176 = arith.constant 1 : i32
      %add3A_177 = arith.addi %mul3A_175, %add3A_176 : i32
      %mul3A_178 = arith.constant 40 : i32
      %mul3A_179 = arith.muli %add3A_177, %mul3A_178 : i32
      %dma_start3A_180 = arith.constant 1 : i32
      %dma_start3A_181 = arith.constant 0 : i32
      %dma_start3A_182 = arith.constant 0 : i32
      %dma_start3A_183 = tpu.memref_slice %arg6[%dma_start3A_180, %dma_start3A_181, %dma_start3A_182] : memref<10x40x128xf32, #tpu.memory_space<vmem>> -> memref<1x40x128xf32, #tpu.memory_space<vmem>>
      %dma_start3A_184 = tpu.memref_squeeze %dma_start3A_183 : memref<1x40x128xf32, #tpu.memory_space<vmem>> -> memref<40x128xf32, #tpu.memory_space<vmem>>
      %dma_start3A_185 = tpu.memref_slice %arg5[%mul3A_179] : memref<10000xi32, #tpu.memory_space<vmem>> -> memref<40xi32, #tpu.memory_space<vmem>>
      %dma_start3A_186 = arith.constant 0 : i32
      %dma_start3A_187 = arith.constant 0 : i32
      %dma_start3A_188 = tpu.memref_slice %arg2[%dma_start3A_186, %dma_start3A_187] : memref<10000x128xf32, #tpu.memory_space<hbm>> -> memref<10000x128xf32, #tpu.memory_space<hbm>>
      tpu.enqueue_indirect_dma source(%dma_start3A_188 : memref<10000x128xf32, #tpu.memory_space<hbm>>) target(%dma_start3A_184 : memref<40x128xf32, #tpu.memory_space<vmem>>) offsets(%dma_start3A_185 : memref<40xi32, #tpu.memory_space<vmem>>) semaphore(%arg7 : memref<!tpu.dma_semaphore, #tpu.memory_space<semaphore_mem>>)
      %mul3A_189 = arith.constant 10 : i32
      %mul3A_190 = arith.muli %scan3A_157, %mul3A_189 : i32
      %add3A_191 = arith.constant 2 : i32
      %add3A_192 = arith.addi %mul3A_190, %add3A_191 : i32
      %mul3A_193 = arith.constant 40 : i32
      %mul3A_194 = arith.muli %add3A_192, %mul3A_193 : i32
      %dma_start3A_195 = arith.constant 2 : i32
      %dma_start3A_196 = arith.constant 0 : i32
      %dma_start3A_197 = arith.constant 0 : i32
      %dma_start3A_198 = tpu.memref_slice %arg6[%dma_start3A_195, %dma_start3A_196, %dma_start3A_197] : memref<10x40x128xf32, #tpu.memory_space<vmem>> -> memref<1x40x128xf32, #tpu.memory_space<vmem>>
      %dma_start3A_199 = tpu.memref_squeeze %dma_start3A_198 : memref<1x40x128xf32, #tpu.memory_space<vmem>> -> memref<40x128xf32, #tpu.memory_space<vmem>>
      %dma_start3A_200 = tpu.memref_slice %arg5[%mul3A_194] : memref<10000xi32, #tpu.memory_space<vmem>> -> memref<40xi32, #tpu.memory_space<vmem>>
      %dma_start3A_201 = arith.constant 0 : i32
      %dma_start3A_202 = arith.constant 0 : i32
      %dma_start3A_203 = tpu.memref_slice %arg2[%dma_start3A_201, %dma_start3A_202] : memref<10000x128xf32, #tpu.memory_space<hbm>> -> memref<10000x128xf32, #tpu.memory_space<hbm>>
      tpu.enqueue_indirect_dma source(%dma_start3A_203 : memref<10000x128xf32, #tpu.memory_space<hbm>>) target(%dma_start3A_199 : memref<40x128xf32, #tpu.memory_space<vmem>>) offsets(%dma_start3A_200 : memref<40xi32, #tpu.memory_space<vmem>>) semaphore(%arg7 : memref<!tpu.dma_semaphore, #tpu.memory_space<semaphore_mem>>)
      %mul3A_204 = arith.constant 10 : i32
      %mul3A_205 = arith.muli %scan3A_157, %mul3A_204 : i32
      %add3A_206 = arith.constant 3 : i32
      %add3A_207 = arith.addi %mul3A_205, %add3A_206 : i32
      %mul3A_208 = arith.constant 40 : i32
      %mul3A_209 = arith.muli %add3A_207, %mul3A_208 : i32
      %dma_start3A_210 = arith.constant 3 : i32
      %dma_start3A_211 = arith.constant 0 : i32
      %dma_start3A_212 = arith.constant 0 : i32
      %dma_start3A_213 = tpu.memref_slice %arg6[%dma_start3A_210, %dma_start3A_211, %dma_start3A_212] : memref<10x40x128xf32, #tpu.memory_space<vmem>> -> memref<1x40x128xf32, #tpu.memory_space<vmem>>
      %dma_start3A_214 = tpu.memref_squeeze %dma_start3A_213 : memref<1x40x128xf32, #tpu.memory_space<vmem>> -> memref<40x128xf32, #tpu.memory_space<vmem>>
      %dma_start3A_215 = tpu.memref_slice %arg5[%mul3A_209] : memref<10000xi32, #tpu.memory_space<vmem>> -> memref<40xi32, #tpu.memory_space<vmem>>
      %dma_start3A_216 = arith.constant 0 : i32
      %dma_start3A_217 = arith.constant 0 : i32
      %dma_start3A_218 = tpu.memref_slice %arg2[%dma_start3A_216, %dma_start3A_217] : memref<10000x128xf32, #tpu.memory_space<hbm>> -> memref<10000x128xf32, #tpu.memory_space<hbm>>
      tpu.enqueue_indirect_dma source(%dma_start3A_218 : memref<10000x128xf32, #tpu.memory_space<hbm>>) target(%dma_start3A_214 : memref<40x128xf32, #tpu.memory_space<vmem>>) offsets(%dma_start3A_215 : memref<40xi32, #tpu.memory_space<vmem>>) semaphore(%arg7 : memref<!tpu.dma_semaphore, #tpu.memory_space<semaphore_mem>>)
      %mul3A_219 = arith.constant 10 : i32
      %mul3A_220 = arith.muli %scan3A_157, %mul3A_219 : i32
      %add3A_221 = arith.constant 4 : i32
      %add3A_222 = arith.addi %mul3A_220, %add3A_221 : i32
      %mul3A_223 = arith.constant 40 : i32
      %mul3A_224 = arith.muli %add3A_222, %mul3A_223 : i32
      %dma_start3A_225 = arith.constant 4 : i32
      %dma_start3A_226 = arith.constant 0 : i32
      %dma_start3A_227 = arith.constant 0 : i32
      %dma_start3A_228 = tpu.memref_slice %arg6[%dma_start3A_225, %dma_start3A_226, %dma_start3A_227] : memref<10x40x128xf32, #tpu.memory_space<vmem>> -> memref<1x40x128xf32, #tpu.memory_space<vmem>>
      %dma_start3A_229 = tpu.memref_squeeze %dma_start3A_228 : memref<1x40x128xf32, #tpu.memory_space<vmem>> -> memref<40x128xf32, #tpu.memory_space<vmem>>
      %dma_start3A_230 = tpu.memref_slice %arg5[%mul3A_224] : memref<10000xi32, #tpu.memory_space<vmem>> -> memref<40xi32, #tpu.memory_space<vmem>>
      %dma_start3A_231 = arith.constant 0 : i32
      %dma_start3A_232 = arith.constant 0 : i32
      %dma_start3A_233 = tpu.memref_slice %arg2[%dma_start3A_231, %dma_start3A_232] : memref<10000x128xf32, #tpu.memory_space<hbm>> -> memref<10000x128xf32, #tpu.memory_space<hbm>>
      tpu.enqueue_indirect_dma source(%dma_start3A_233 : memref<10000x128xf32, #tpu.memory_space<hbm>>) target(%dma_start3A_229 : memref<40x128xf32, #tpu.memory_space<vmem>>) offsets(%dma_start3A_230 : memref<40xi32, #tpu.memory_space<vmem>>) semaphore(%arg7 : memref<!tpu.dma_semaphore, #tpu.memory_space<semaphore_mem>>)
      %mul3A_234 = arith.constant 10 : i32
      %mul3A_235 = arith.muli %scan3A_157, %mul3A_234 : i32
      %add3A_236 = arith.constant 5 : i32
      %add3A_237 = arith.addi %mul3A_235, %add3A_236 : i32
      %mul3A_238 = arith.constant 40 : i32
      %mul3A_239 = arith.muli %add3A_237, %mul3A_238 : i32
      %dma_start3A_240 = arith.constant 5 : i32
      %dma_start3A_241 = arith.constant 0 : i32
      %dma_start3A_242 = arith.constant 0 : i32
      %dma_start3A_243 = tpu.memref_slice %arg6[%dma_start3A_240, %dma_start3A_241, %dma_start3A_242] : memref<10x40x128xf32, #tpu.memory_space<vmem>> -> memref<1x40x128xf32, #tpu.memory_space<vmem>>
      %dma_start3A_244 = tpu.memref_squeeze %dma_start3A_243 : memref<1x40x128xf32, #tpu.memory_space<vmem>> -> memref<40x128xf32, #tpu.memory_space<vmem>>
      %dma_start3A_245 = tpu.memref_slice %arg5[%mul3A_239] : memref<10000xi32, #tpu.memory_space<vmem>> -> memref<40xi32, #tpu.memory_space<vmem>>
      %dma_start3A_246 = arith.constant 0 : i32
      %dma_start3A_247 = arith.constant 0 : i32
      %dma_start3A_248 = tpu.memref_slice %arg2[%dma_start3A_246, %dma_start3A_247] : memref<10000x128xf32, #tpu.memory_space<hbm>> -> memref<10000x128xf32, #tpu.memory_space<hbm>>
      tpu.enqueue_indirect_dma source(%dma_start3A_248 : memref<10000x128xf32, #tpu.memory_space<hbm>>) target(%dma_start3A_244 : memref<40x128xf32, #tpu.memory_space<vmem>>) offsets(%dma_start3A_245 : memref<40xi32, #tpu.memory_space<vmem>>) semaphore(%arg7 : memref<!tpu.dma_semaphore, #tpu.memory_space<semaphore_mem>>)
      %mul3A_249 = arith.constant 10 : i32
      %mul3A_250 = arith.muli %scan3A_157, %mul3A_249 : i32
      %add3A_251 = arith.constant 6 : i32
      %add3A_252 = arith.addi %mul3A_250, %add3A_251 : i32
      %mul3A_253 = arith.constant 40 : i32
      %mul3A_254 = arith.muli %add3A_252, %mul3A_253 : i32
      %dma_start3A_255 = arith.constant 6 : i32
      %dma_start3A_256 = arith.constant 0 : i32
      %dma_start3A_257 = arith.constant 0 : i32
      %dma_start3A_258 = tpu.memref_slice %arg6[%dma_start3A_255, %dma_start3A_256, %dma_start3A_257] : memref<10x40x128xf32, #tpu.memory_space<vmem>> -> memref<1x40x128xf32, #tpu.memory_space<vmem>>
      %dma_start3A_259 = tpu.memref_squeeze %dma_start3A_258 : memref<1x40x128xf32, #tpu.memory_space<vmem>> -> memref<40x128xf32, #tpu.memory_space<vmem>>
      %dma_start3A_260 = tpu.memref_slice %arg5[%mul3A_254] : memref<10000xi32, #tpu.memory_space<vmem>> -> memref<40xi32, #tpu.memory_space<vmem>>
      %dma_start3A_261 = arith.constant 0 : i32
      %dma_start3A_262 = arith.constant 0 : i32
      %dma_start3A_263 = tpu.memref_slice %arg2[%dma_start3A_261, %dma_start3A_262] : memref<10000x128xf32, #tpu.memory_space<hbm>> -> memref<10000x128xf32, #tpu.memory_space<hbm>>
      tpu.enqueue_indirect_dma source(%dma_start3A_263 : memref<10000x128xf32, #tpu.memory_space<hbm>>) target(%dma_start3A_259 : memref<40x128xf32, #tpu.memory_space<vmem>>) offsets(%dma_start3A_260 : memref<40xi32, #tpu.memory_space<vmem>>) semaphore(%arg7 : memref<!tpu.dma_semaphore, #tpu.memory_space<semaphore_mem>>)
      %mul3A_264 = arith.constant 10 : i32
      %mul3A_265 = arith.muli %scan3A_157, %mul3A_264 : i32
      %add3A_266 = arith.constant 7 : i32
      %add3A_267 = arith.addi %mul3A_265, %add3A_266 : i32
      %mul3A_268 = arith.constant 40 : i32
      %mul3A_269 = arith.muli %add3A_267, %mul3A_268 : i32
      %dma_start3A_270 = arith.constant 7 : i32
      %dma_start3A_271 = arith.constant 0 : i32
      %dma_start3A_272 = arith.constant 0 : i32
      %dma_start3A_273 = tpu.memref_slice %arg6[%dma_start3A_270, %dma_start3A_271, %dma_start3A_272] : memref<10x40x128xf32, #tpu.memory_space<vmem>> -> memref<1x40x128xf32, #tpu.memory_space<vmem>>
      %dma_start3A_274 = tpu.memref_squeeze %dma_start3A_273 : memref<1x40x128xf32, #tpu.memory_space<vmem>> -> memref<40x128xf32, #tpu.memory_space<vmem>>
      %dma_start3A_275 = tpu.memref_slice %arg5[%mul3A_269] : memref<10000xi32, #tpu.memory_space<vmem>> -> memref<40xi32, #tpu.memory_space<vmem>>
      %dma_start3A_276 = arith.constant 0 : i32
      %dma_start3A_277 = arith.constant 0 : i32
      %dma_start3A_278 = tpu.memref_slice %arg2[%dma_start3A_276, %dma_start3A_277] : memref<10000x128xf32, #tpu.memory_space<hbm>> -> memref<10000x128xf32, #tpu.memory_space<hbm>>
      tpu.enqueue_indirect_dma source(%dma_start3A_278 : memref<10000x128xf32, #tpu.memory_space<hbm>>) target(%dma_start3A_274 : memref<40x128xf32, #tpu.memory_space<vmem>>) offsets(%dma_start3A_275 : memref<40xi32, #tpu.memory_space<vmem>>) semaphore(%arg7 : memref<!tpu.dma_semaphore, #tpu.memory_space<semaphore_mem>>)
      %mul3A_279 = arith.constant 10 : i32
      %mul3A_280 = arith.muli %scan3A_157, %mul3A_279 : i32
      %add3A_281 = arith.constant 8 : i32
      %add3A_282 = arith.addi %mul3A_280, %add3A_281 : i32
      %mul3A_283 = arith.constant 40 : i32
      %mul3A_284 = arith.muli %add3A_282, %mul3A_283 : i32
      %dma_start3A_285 = arith.constant 8 : i32
      %dma_start3A_286 = arith.constant 0 : i32
      %dma_start3A_287 = arith.constant 0 : i32
      %dma_start3A_288 = tpu.memref_slice %arg6[%dma_start3A_285, %dma_start3A_286, %dma_start3A_287] : memref<10x40x128xf32, #tpu.memory_space<vmem>> -> memref<1x40x128xf32, #tpu.memory_space<vmem>>
      %dma_start3A_289 = tpu.memref_squeeze %dma_start3A_288 : memref<1x40x128xf32, #tpu.memory_space<vmem>> -> memref<40x128xf32, #tpu.memory_space<vmem>>
      %dma_start3A_290 = tpu.memref_slice %arg5[%mul3A_284] : memref<10000xi32, #tpu.memory_space<vmem>> -> memref<40xi32, #tpu.memory_space<vmem>>
      %dma_start3A_291 = arith.constant 0 : i32
      %dma_start3A_292 = arith.constant 0 : i32
      %dma_start3A_293 = tpu.memref_slice %arg2[%dma_start3A_291, %dma_start3A_292] : memref<10000x128xf32, #tpu.memory_space<hbm>> -> memref<10000x128xf32, #tpu.memory_space<hbm>>
      tpu.enqueue_indirect_dma source(%dma_start3A_293 : memref<10000x128xf32, #tpu.memory_space<hbm>>) target(%dma_start3A_289 : memref<40x128xf32, #tpu.memory_space<vmem>>) offsets(%dma_start3A_290 : memref<40xi32, #tpu.memory_space<vmem>>) semaphore(%arg7 : memref<!tpu.dma_semaphore, #tpu.memory_space<semaphore_mem>>)
      %mul3A_294 = arith.constant 10 : i32
      %mul3A_295 = arith.muli %scan3A_157, %mul3A_294 : i32
      %add3A_296 = arith.constant 9 : i32
      %add3A_297 = arith.addi %mul3A_295, %add3A_296 : i32
      %mul3A_298 = arith.constant 40 : i32
      %mul3A_299 = arith.muli %add3A_297, %mul3A_298 : i32
      %dma_start3A_300 = arith.constant 9 : i32
      %dma_start3A_301 = arith.constant 0 : i32
      %dma_start3A_302 = arith.constant 0 : i32
      %dma_start3A_303 = tpu.memref_slice %arg6[%dma_start3A_300, %dma_start3A_301, %dma_start3A_302] : memref<10x40x128xf32, #tpu.memory_space<vmem>> -> memref<1x40x128xf32, #tpu.memory_space<vmem>>
      %dma_start3A_304 = tpu.memref_squeeze %dma_start3A_303 : memref<1x40x128xf32, #tpu.memory_space<vmem>> -> memref<40x128xf32, #tpu.memory_space<vmem>>
      %dma_start3A_305 = tpu.memref_slice %arg5[%mul3A_299] : memref<10000xi32, #tpu.memory_space<vmem>> -> memref<40xi32, #tpu.memory_space<vmem>>
      %dma_start3A_306 = arith.constant 0 : i32
      %dma_start3A_307 = arith.constant 0 : i32
      %dma_start3A_308 = tpu.memref_slice %arg2[%dma_start3A_306, %dma_start3A_307] : memref<10000x128xf32, #tpu.memory_space<hbm>> -> memref<10000x128xf32, #tpu.memory_space<hbm>>
      tpu.enqueue_indirect_dma source(%dma_start3A_308 : memref<10000x128xf32, #tpu.memory_space<hbm>>) target(%dma_start3A_304 : memref<40x128xf32, #tpu.memory_space<vmem>>) offsets(%dma_start3A_305 : memref<40xi32, #tpu.memory_space<vmem>>) semaphore(%arg7 : memref<!tpu.dma_semaphore, #tpu.memory_space<semaphore_mem>>)
      %mul3A_309 = arith.constant 10 : i32
      %mul3A_310 = arith.muli %scan3A_157, %mul3A_309 : i32
      %add3A_311 = arith.constant 0 : i32
      %add3A_312 = arith.addi %mul3A_310, %add3A_311 : i32
      %mul3A_313 = arith.constant 40 : i32
      %mul3A_314 = arith.muli %add3A_312, %mul3A_313 : i32
      %dma_wait3A_315 = arith.constant 0 : i32
      %dma_wait3A_316 = arith.constant 0 : i32
      %dma_wait3A_317 = arith.constant 0 : i32
      %dma_wait3A_318 = tpu.memref_slice %arg6[%dma_wait3A_315, %dma_wait3A_316, %dma_wait3A_317] : memref<10x40x128xf32, #tpu.memory_space<vmem>> -> memref<1x40x128xf32, #tpu.memory_space<vmem>>
      %dma_wait3A_319 = tpu.memref_squeeze %dma_wait3A_318 : memref<1x40x128xf32, #tpu.memory_space<vmem>> -> memref<40x128xf32, #tpu.memory_space<vmem>>
      %dma_wait3A_320 = tpu.memref_slice %arg5[%mul3A_314] : memref<10000xi32, #tpu.memory_space<vmem>> -> memref<40xi32, #tpu.memory_space<vmem>>
      %dma_wait3A_321 = arith.constant 0 : i32
      %dma_wait3A_322 = arith.constant 0 : i32
      %dma_wait3A_323 = tpu.memref_slice %arg2[%dma_wait3A_321, %dma_wait3A_322] : memref<10000x128xf32, #tpu.memory_space<hbm>> -> memref<10000x128xf32, #tpu.memory_space<hbm>>
      tpu.wait_indirect_dma semaphore(%arg7 : memref<!tpu.dma_semaphore, #tpu.memory_space<semaphore_mem>>) src(%dma_wait3A_323 : memref<10000x128xf32, #tpu.memory_space<hbm>>) dst(%dma_wait3A_319 : memref<40x128xf32, #tpu.memory_space<vmem>>)
      %mul3A_324 = arith.constant 10 : i32
      %mul3A_325 = arith.muli %scan3A_157, %mul3A_324 : i32
      %add3A_326 = arith.constant 0 : i32
      %add3A_327 = arith.addi %mul3A_325, %add3A_326 : i32
      %mul3A_328 = arith.constant 40 : i32
      %mul3A_329 = arith.muli %add3A_327, %mul3A_328 : i32
      %add3A_330 = arith.addi %mul3A_2, %mul3A_329 : i32
      %dma_start3A_331 = arith.constant 0 : i32
      %dma_start3A_332 = arith.constant 0 : i32
      %dma_start3A_333 = arith.constant 0 : i32
      %dma_start3A_334 = tpu.memref_slice %arg6[%dma_start3A_331, %dma_start3A_332, %dma_start3A_333] : memref<10x40x128xf32, #tpu.memory_space<vmem>> -> memref<1x40x128xf32, #tpu.memory_space<vmem>>
      %dma_start3A_335 = tpu.memref_squeeze %dma_start3A_334 : memref<1x40x128xf32, #tpu.memory_space<vmem>> -> memref<40x128xf32, #tpu.memory_space<vmem>>
      %dma_start3A_336 = arith.constant 0 : i32
      %dma_start3A_337 = tpu.memref_slice %arg4[%add3A_330, %dma_start3A_336] : memref<320000x128xf32, #tpu.memory_space<hbm>> -> memref<40x128xf32, #tpu.memory_space<hbm>>
      %dma_start3A_338 = arith.constant 0 : i32
      %dma_start3A_339 = tpu.memref_slice %arg4[%add3A_330, %dma_start3A_338] : memref<320000x128xf32, #tpu.memory_space<hbm>> -> memref<40x128xf32, #tpu.memory_space<hbm>>
      %dma_start3A_340 = arith.constant 0 : i32
      %dma_start3A_341 = arith.constant 0 : i32
      %dma_start3A_342 = tpu.memref_slice %arg6[%dma_start3A_331, %dma_start3A_340, %dma_start3A_341] : memref<10x40x128xf32, #tpu.memory_space<vmem>> -> memref<1x40x128xf32, #tpu.memory_space<vmem>>
      %dma_start3A_343 = tpu.memref_squeeze %dma_start3A_342 : memref<1x40x128xf32, #tpu.memory_space<vmem>> -> memref<40x128xf32, #tpu.memory_space<vmem>>
      tpu.enqueue_dma source(%dma_start3A_343 : memref<40x128xf32, #tpu.memory_space<vmem>>) target(%dma_start3A_339 : memref<40x128xf32, #tpu.memory_space<hbm>>) target_semaphore(%arg8 : memref<!tpu.dma_semaphore, #tpu.memory_space<semaphore_mem>>)
      %mul3A_344 = arith.constant 10 : i32
      %mul3A_345 = arith.muli %scan3A_157, %mul3A_344 : i32
      %add3A_346 = arith.constant 1 : i32
      %add3A_347 = arith.addi %mul3A_345, %add3A_346 : i32
      %mul3A_348 = arith.constant 40 : i32
      %mul3A_349 = arith.muli %add3A_347, %mul3A_348 : i32
      %dma_wait3A_350 = arith.constant 1 : i32
      %dma_wait3A_351 = arith.constant 0 : i32
      %dma_wait3A_352 = arith.constant 0 : i32
      %dma_wait3A_353 = tpu.memref_slice %arg6[%dma_wait3A_350, %dma_wait3A_351, %dma_wait3A_352] : memref<10x40x128xf32, #tpu.memory_space<vmem>> -> memref<1x40x128xf32, #tpu.memory_space<vmem>>
      %dma_wait3A_354 = tpu.memref_squeeze %dma_wait3A_353 : memref<1x40x128xf32, #tpu.memory_space<vmem>> -> memref<40x128xf32, #tpu.memory_space<vmem>>
      %dma_wait3A_355 = tpu.memref_slice %arg5[%mul3A_349] : memref<10000xi32, #tpu.memory_space<vmem>> -> memref<40xi32, #tpu.memory_space<vmem>>
      %dma_wait3A_356 = arith.constant 0 : i32
      %dma_wait3A_357 = arith.constant 0 : i32
      %dma_wait3A_358 = tpu.memref_slice %arg2[%dma_wait3A_356, %dma_wait3A_357] : memref<10000x128xf32, #tpu.memory_space<hbm>> -> memref<10000x128xf32, #tpu.memory_space<hbm>>
      tpu.wait_indirect_dma semaphore(%arg7 : memref<!tpu.dma_semaphore, #tpu.memory_space<semaphore_mem>>) src(%dma_wait3A_358 : memref<10000x128xf32, #tpu.memory_space<hbm>>) dst(%dma_wait3A_354 : memref<40x128xf32, #tpu.memory_space<vmem>>)
      %mul3A_359 = arith.constant 10 : i32
      %mul3A_360 = arith.muli %scan3A_157, %mul3A_359 : i32
      %add3A_361 = arith.constant 1 : i32
      %add3A_362 = arith.addi %mul3A_360, %add3A_361 : i32
      %mul3A_363 = arith.constant 40 : i32
      %mul3A_364 = arith.muli %add3A_362, %mul3A_363 : i32
      %add3A_365 = arith.addi %mul3A_2, %mul3A_364 : i32
      %dma_start3A_366 = arith.constant 1 : i32
      %dma_start3A_367 = arith.constant 0 : i32
      %dma_start3A_368 = arith.constant 0 : i32
      %dma_start3A_369 = tpu.memref_slice %arg6[%dma_start3A_366, %dma_start3A_367, %dma_start3A_368] : memref<10x40x128xf32, #tpu.memory_space<vmem>> -> memref<1x40x128xf32, #tpu.memory_space<vmem>>
      %dma_start3A_370 = tpu.memref_squeeze %dma_start3A_369 : memref<1x40x128xf32, #tpu.memory_space<vmem>> -> memref<40x128xf32, #tpu.memory_space<vmem>>
      %dma_start3A_371 = arith.constant 0 : i32
      %dma_start3A_372 = tpu.memref_slice %arg4[%add3A_365, %dma_start3A_371] : memref<320000x128xf32, #tpu.memory_space<hbm>> -> memref<40x128xf32, #tpu.memory_space<hbm>>
      %dma_start3A_373 = arith.constant 0 : i32
      %dma_start3A_374 = tpu.memref_slice %arg4[%add3A_365, %dma_start3A_373] : memref<320000x128xf32, #tpu.memory_space<hbm>> -> memref<40x128xf32, #tpu.memory_space<hbm>>
      %dma_start3A_375 = arith.constant 0 : i32
      %dma_start3A_376 = arith.constant 0 : i32
      %dma_start3A_377 = tpu.memref_slice %arg6[%dma_start3A_366, %dma_start3A_375, %dma_start3A_376] : memref<10x40x128xf32, #tpu.memory_space<vmem>> -> memref<1x40x128xf32, #tpu.memory_space<vmem>>
      %dma_start3A_378 = tpu.memref_squeeze %dma_start3A_377 : memref<1x40x128xf32, #tpu.memory_space<vmem>> -> memref<40x128xf32, #tpu.memory_space<vmem>>
      tpu.enqueue_dma source(%dma_start3A_378 : memref<40x128xf32, #tpu.memory_space<vmem>>) target(%dma_start3A_374 : memref<40x128xf32, #tpu.memory_space<hbm>>) target_semaphore(%arg8 : memref<!tpu.dma_semaphore, #tpu.memory_space<semaphore_mem>>)
      %mul3A_379 = arith.constant 10 : i32
      %mul3A_380 = arith.muli %scan3A_157, %mul3A_379 : i32
      %add3A_381 = arith.constant 2 : i32
      %add3A_382 = arith.addi %mul3A_380, %add3A_381 : i32
      %mul3A_383 = arith.constant 40 : i32
      %mul3A_384 = arith.muli %add3A_382, %mul3A_383 : i32
      %dma_wait3A_385 = arith.constant 2 : i32
      %dma_wait3A_386 = arith.constant 0 : i32
      %dma_wait3A_387 = arith.constant 0 : i32
      %dma_wait3A_388 = tpu.memref_slice %arg6[%dma_wait3A_385, %dma_wait3A_386, %dma_wait3A_387] : memref<10x40x128xf32, #tpu.memory_space<vmem>> -> memref<1x40x128xf32, #tpu.memory_space<vmem>>
      %dma_wait3A_389 = tpu.memref_squeeze %dma_wait3A_388 : memref<1x40x128xf32, #tpu.memory_space<vmem>> -> memref<40x128xf32, #tpu.memory_space<vmem>>
      %dma_wait3A_390 = tpu.memref_slice %arg5[%mul3A_384] : memref<10000xi32, #tpu.memory_space<vmem>> -> memref<40xi32, #tpu.memory_space<vmem>>
      %dma_wait3A_391 = arith.constant 0 : i32
      %dma_wait3A_392 = arith.constant 0 : i32
      %dma_wait3A_393 = tpu.memref_slice %arg2[%dma_wait3A_391, %dma_wait3A_392] : memref<10000x128xf32, #tpu.memory_space<hbm>> -> memref<10000x128xf32, #tpu.memory_space<hbm>>
      tpu.wait_indirect_dma semaphore(%arg7 : memref<!tpu.dma_semaphore, #tpu.memory_space<semaphore_mem>>) src(%dma_wait3A_393 : memref<10000x128xf32, #tpu.memory_space<hbm>>) dst(%dma_wait3A_389 : memref<40x128xf32, #tpu.memory_space<vmem>>)
      %mul3A_394 = arith.constant 10 : i32
      %mul3A_395 = arith.muli %scan3A_157, %mul3A_394 : i32
      %add3A_396 = arith.constant 2 : i32
      %add3A_397 = arith.addi %mul3A_395, %add3A_396 : i32
      %mul3A_398 = arith.constant 40 : i32
      %mul3A_399 = arith.muli %add3A_397, %mul3A_398 : i32
      %add3A_400 = arith.addi %mul3A_2, %mul3A_399 : i32
      %dma_start3A_401 = arith.constant 2 : i32
      %dma_start3A_402 = arith.constant 0 : i32
      %dma_start3A_403 = arith.constant 0 : i32
      %dma_start3A_404 = tpu.memref_slice %arg6[%dma_start3A_401, %dma_start3A_402, %dma_start3A_403] : memref<10x40x128xf32, #tpu.memory_space<vmem>> -> memref<1x40x128xf32, #tpu.memory_space<vmem>>
      %dma_start3A_405 = tpu.memref_squeeze %dma_start3A_404 : memref<1x40x128xf32, #tpu.memory_space<vmem>> -> memref<40x128xf32, #tpu.memory_space<vmem>>
      %dma_start3A_406 = arith.constant 0 : i32
      %dma_start3A_407 = tpu.memref_slice %arg4[%add3A_400, %dma_start3A_406] : memref<320000x128xf32, #tpu.memory_space<hbm>> -> memref<40x128xf32, #tpu.memory_space<hbm>>
      %dma_start3A_408 = arith.constant 0 : i32
      %dma_start3A_409 = tpu.memref_slice %arg4[%add3A_400, %dma_start3A_408] : memref<320000x128xf32, #tpu.memory_space<hbm>> -> memref<40x128xf32, #tpu.memory_space<hbm>>
      %dma_start3A_410 = arith.constant 0 : i32
      %dma_start3A_411 = arith.constant 0 : i32
      %dma_start3A_412 = tpu.memref_slice %arg6[%dma_start3A_401, %dma_start3A_410, %dma_start3A_411] : memref<10x40x128xf32, #tpu.memory_space<vmem>> -> memref<1x40x128xf32, #tpu.memory_space<vmem>>
      %dma_start3A_413 = tpu.memref_squeeze %dma_start3A_412 : memref<1x40x128xf32, #tpu.memory_space<vmem>> -> memref<40x128xf32, #tpu.memory_space<vmem>>
      tpu.enqueue_dma source(%dma_start3A_413 : memref<40x128xf32, #tpu.memory_space<vmem>>) target(%dma_start3A_409 : memref<40x128xf32, #tpu.memory_space<hbm>>) target_semaphore(%arg8 : memref<!tpu.dma_semaphore, #tpu.memory_space<semaphore_mem>>)
      %mul3A_414 = arith.constant 10 : i32
      %mul3A_415 = arith.muli %scan3A_157, %mul3A_414 : i32
      %add3A_416 = arith.constant 3 : i32
      %add3A_417 = arith.addi %mul3A_415, %add3A_416 : i32
      %mul3A_418 = arith.constant 40 : i32
      %mul3A_419 = arith.muli %add3A_417, %mul3A_418 : i32
      %dma_wait3A_420 = arith.constant 3 : i32
      %dma_wait3A_421 = arith.constant 0 : i32
      %dma_wait3A_422 = arith.constant 0 : i32
      %dma_wait3A_423 = tpu.memref_slice %arg6[%dma_wait3A_420, %dma_wait3A_421, %dma_wait3A_422] : memref<10x40x128xf32, #tpu.memory_space<vmem>> -> memref<1x40x128xf32, #tpu.memory_space<vmem>>
      %dma_wait3A_424 = tpu.memref_squeeze %dma_wait3A_423 : memref<1x40x128xf32, #tpu.memory_space<vmem>> -> memref<40x128xf32, #tpu.memory_space<vmem>>
      %dma_wait3A_425 = tpu.memref_slice %arg5[%mul3A_419] : memref<10000xi32, #tpu.memory_space<vmem>> -> memref<40xi32, #tpu.memory_space<vmem>>
      %dma_wait3A_426 = arith.constant 0 : i32
      %dma_wait3A_427 = arith.constant 0 : i32
      %dma_wait3A_428 = tpu.memref_slice %arg2[%dma_wait3A_426, %dma_wait3A_427] : memref<10000x128xf32, #tpu.memory_space<hbm>> -> memref<10000x128xf32, #tpu.memory_space<hbm>>
      tpu.wait_indirect_dma semaphore(%arg7 : memref<!tpu.dma_semaphore, #tpu.memory_space<semaphore_mem>>) src(%dma_wait3A_428 : memref<10000x128xf32, #tpu.memory_space<hbm>>) dst(%dma_wait3A_424 : memref<40x128xf32, #tpu.memory_space<vmem>>)
      %mul3A_429 = arith.constant 10 : i32
      %mul3A_430 = arith.muli %scan3A_157, %mul3A_429 : i32
      %add3A_431 = arith.constant 3 : i32
      %add3A_432 = arith.addi %mul3A_430, %add3A_431 : i32
      %mul3A_433 = arith.constant 40 : i32
      %mul3A_434 = arith.muli %add3A_432, %mul3A_433 : i32
      %add3A_435 = arith.addi %mul3A_2, %mul3A_434 : i32
      %dma_start3A_436 = arith.constant 3 : i32
      %dma_start3A_437 = arith.constant 0 : i32
      %dma_start3A_438 = arith.constant 0 : i32
      %dma_start3A_439 = tpu.memref_slice %arg6[%dma_start3A_436, %dma_start3A_437, %dma_start3A_438] : memref<10x40x128xf32, #tpu.memory_space<vmem>> -> memref<1x40x128xf32, #tpu.memory_space<vmem>>
      %dma_start3A_440 = tpu.memref_squeeze %dma_start3A_439 : memref<1x40x128xf32, #tpu.memory_space<vmem>> -> memref<40x128xf32, #tpu.memory_space<vmem>>
      %dma_start3A_441 = arith.constant 0 : i32
      %dma_start3A_442 = tpu.memref_slice %arg4[%add3A_435, %dma_start3A_441] : memref<320000x128xf32, #tpu.memory_space<hbm>> -> memref<40x128xf32, #tpu.memory_space<hbm>>
      %dma_start3A_443 = arith.constant 0 : i32
      %dma_start3A_444 = tpu.memref_slice %arg4[%add3A_435, %dma_start3A_443] : memref<320000x128xf32, #tpu.memory_space<hbm>> -> memref<40x128xf32, #tpu.memory_space<hbm>>
      %dma_start3A_445 = arith.constant 0 : i32
      %dma_start3A_446 = arith.constant 0 : i32
      %dma_start3A_447 = tpu.memref_slice %arg6[%dma_start3A_436, %dma_start3A_445, %dma_start3A_446] : memref<10x40x128xf32, #tpu.memory_space<vmem>> -> memref<1x40x128xf32, #tpu.memory_space<vmem>>
      %dma_start3A_448 = tpu.memref_squeeze %dma_start3A_447 : memref<1x40x128xf32, #tpu.memory_space<vmem>> -> memref<40x128xf32, #tpu.memory_space<vmem>>
      tpu.enqueue_dma source(%dma_start3A_448 : memref<40x128xf32, #tpu.memory_space<vmem>>) target(%dma_start3A_444 : memref<40x128xf32, #tpu.memory_space<hbm>>) target_semaphore(%arg8 : memref<!tpu.dma_semaphore, #tpu.memory_space<semaphore_mem>>)
      %mul3A_449 = arith.constant 10 : i32
      %mul3A_450 = arith.muli %scan3A_157, %mul3A_449 : i32
      %add3A_451 = arith.constant 4 : i32
      %add3A_452 = arith.addi %mul3A_450, %add3A_451 : i32
      %mul3A_453 = arith.constant 40 : i32
      %mul3A_454 = arith.muli %add3A_452, %mul3A_453 : i32
      %dma_wait3A_455 = arith.constant 4 : i32
      %dma_wait3A_456 = arith.constant 0 : i32
      %dma_wait3A_457 = arith.constant 0 : i32
      %dma_wait3A_458 = tpu.memref_slice %arg6[%dma_wait3A_455, %dma_wait3A_456, %dma_wait3A_457] : memref<10x40x128xf32, #tpu.memory_space<vmem>> -> memref<1x40x128xf32, #tpu.memory_space<vmem>>
      %dma_wait3A_459 = tpu.memref_squeeze %dma_wait3A_458 : memref<1x40x128xf32, #tpu.memory_space<vmem>> -> memref<40x128xf32, #tpu.memory_space<vmem>>
      %dma_wait3A_460 = tpu.memref_slice %arg5[%mul3A_454] : memref<10000xi32, #tpu.memory_space<vmem>> -> memref<40xi32, #tpu.memory_space<vmem>>
      %dma_wait3A_461 = arith.constant 0 : i32
      %dma_wait3A_462 = arith.constant 0 : i32
      %dma_wait3A_463 = tpu.memref_slice %arg2[%dma_wait3A_461, %dma_wait3A_462] : memref<10000x128xf32, #tpu.memory_space<hbm>> -> memref<10000x128xf32, #tpu.memory_space<hbm>>
      tpu.wait_indirect_dma semaphore(%arg7 : memref<!tpu.dma_semaphore, #tpu.memory_space<semaphore_mem>>) src(%dma_wait3A_463 : memref<10000x128xf32, #tpu.memory_space<hbm>>) dst(%dma_wait3A_459 : memref<40x128xf32, #tpu.memory_space<vmem>>)
      %mul3A_464 = arith.constant 10 : i32
      %mul3A_465 = arith.muli %scan3A_157, %mul3A_464 : i32
      %add3A_466 = arith.constant 4 : i32
      %add3A_467 = arith.addi %mul3A_465, %add3A_466 : i32
      %mul3A_468 = arith.constant 40 : i32
      %mul3A_469 = arith.muli %add3A_467, %mul3A_468 : i32
      %add3A_470 = arith.addi %mul3A_2, %mul3A_469 : i32
      %dma_start3A_471 = arith.constant 4 : i32
      %dma_start3A_472 = arith.constant 0 : i32
      %dma_start3A_473 = arith.constant 0 : i32
      %dma_start3A_474 = tpu.memref_slice %arg6[%dma_start3A_471, %dma_start3A_472, %dma_start3A_473] : memref<10x40x128xf32, #tpu.memory_space<vmem>> -> memref<1x40x128xf32, #tpu.memory_space<vmem>>
      %dma_start3A_475 = tpu.memref_squeeze %dma_start3A_474 : memref<1x40x128xf32, #tpu.memory_space<vmem>> -> memref<40x128xf32, #tpu.memory_space<vmem>>
      %dma_start3A_476 = arith.constant 0 : i32
      %dma_start3A_477 = tpu.memref_slice %arg4[%add3A_470, %dma_start3A_476] : memref<320000x128xf32, #tpu.memory_space<hbm>> -> memref<40x128xf32, #tpu.memory_space<hbm>>
      %dma_start3A_478 = arith.constant 0 : i32
      %dma_start3A_479 = tpu.memref_slice %arg4[%add3A_470, %dma_start3A_478] : memref<320000x128xf32, #tpu.memory_space<hbm>> -> memref<40x128xf32, #tpu.memory_space<hbm>>
      %dma_start3A_480 = arith.constant 0 : i32
      %dma_start3A_481 = arith.constant 0 : i32
      %dma_start3A_482 = tpu.memref_slice %arg6[%dma_start3A_471, %dma_start3A_480, %dma_start3A_481] : memref<10x40x128xf32, #tpu.memory_space<vmem>> -> memref<1x40x128xf32, #tpu.memory_space<vmem>>
      %dma_start3A_483 = tpu.memref_squeeze %dma_start3A_482 : memref<1x40x128xf32, #tpu.memory_space<vmem>> -> memref<40x128xf32, #tpu.memory_space<vmem>>
      tpu.enqueue_dma source(%dma_start3A_483 : memref<40x128xf32, #tpu.memory_space<vmem>>) target(%dma_start3A_479 : memref<40x128xf32, #tpu.memory_space<hbm>>) target_semaphore(%arg8 : memref<!tpu.dma_semaphore, #tpu.memory_space<semaphore_mem>>)
      %mul3A_484 = arith.constant 10 : i32
      %mul3A_485 = arith.muli %scan3A_157, %mul3A_484 : i32
      %add3A_486 = arith.constant 5 : i32
      %add3A_487 = arith.addi %mul3A_485, %add3A_486 : i32
      %mul3A_488 = arith.constant 40 : i32
      %mul3A_489 = arith.muli %add3A_487, %mul3A_488 : i32
      %dma_wait3A_490 = arith.constant 5 : i32
      %dma_wait3A_491 = arith.constant 0 : i32
      %dma_wait3A_492 = arith.constant 0 : i32
      %dma_wait3A_493 = tpu.memref_slice %arg6[%dma_wait3A_490, %dma_wait3A_491, %dma_wait3A_492] : memref<10x40x128xf32, #tpu.memory_space<vmem>> -> memref<1x40x128xf32, #tpu.memory_space<vmem>>
      %dma_wait3A_494 = tpu.memref_squeeze %dma_wait3A_493 : memref<1x40x128xf32, #tpu.memory_space<vmem>> -> memref<40x128xf32, #tpu.memory_space<vmem>>
      %dma_wait3A_495 = tpu.memref_slice %arg5[%mul3A_489] : memref<10000xi32, #tpu.memory_space<vmem>> -> memref<40xi32, #tpu.memory_space<vmem>>
      %dma_wait3A_496 = arith.constant 0 : i32
      %dma_wait3A_497 = arith.constant 0 : i32
      %dma_wait3A_498 = tpu.memref_slice %arg2[%dma_wait3A_496, %dma_wait3A_497] : memref<10000x128xf32, #tpu.memory_space<hbm>> -> memref<10000x128xf32, #tpu.memory_space<hbm>>
      tpu.wait_indirect_dma semaphore(%arg7 : memref<!tpu.dma_semaphore, #tpu.memory_space<semaphore_mem>>) src(%dma_wait3A_498 : memref<10000x128xf32, #tpu.memory_space<hbm>>) dst(%dma_wait3A_494 : memref<40x128xf32, #tpu.memory_space<vmem>>)
      %mul3A_499 = arith.constant 10 : i32
      %mul3A_500 = arith.muli %scan3A_157, %mul3A_499 : i32
      %add3A_501 = arith.constant 5 : i32
      %add3A_502 = arith.addi %mul3A_500, %add3A_501 : i32
      %mul3A_503 = arith.constant 40 : i32
      %mul3A_504 = arith.muli %add3A_502, %mul3A_503 : i32
      %add3A_505 = arith.addi %mul3A_2, %mul3A_504 : i32
      %dma_start3A_506 = arith.constant 5 : i32
      %dma_start3A_507 = arith.constant 0 : i32
      %dma_start3A_508 = arith.constant 0 : i32
      %dma_start3A_509 = tpu.memref_slice %arg6[%dma_start3A_506, %dma_start3A_507, %dma_start3A_508] : memref<10x40x128xf32, #tpu.memory_space<vmem>> -> memref<1x40x128xf32, #tpu.memory_space<vmem>>
      %dma_start3A_510 = tpu.memref_squeeze %dma_start3A_509 : memref<1x40x128xf32, #tpu.memory_space<vmem>> -> memref<40x128xf32, #tpu.memory_space<vmem>>
      %dma_start3A_511 = arith.constant 0 : i32
      %dma_start3A_512 = tpu.memref_slice %arg4[%add3A_505, %dma_start3A_511] : memref<320000x128xf32, #tpu.memory_space<hbm>> -> memref<40x128xf32, #tpu.memory_space<hbm>>
      %dma_start3A_513 = arith.constant 0 : i32
      %dma_start3A_514 = tpu.memref_slice %arg4[%add3A_505, %dma_start3A_513] : memref<320000x128xf32, #tpu.memory_space<hbm>> -> memref<40x128xf32, #tpu.memory_space<hbm>>
      %dma_start3A_515 = arith.constant 0 : i32
      %dma_start3A_516 = arith.constant 0 : i32
      %dma_start3A_517 = tpu.memref_slice %arg6[%dma_start3A_506, %dma_start3A_515, %dma_start3A_516] : memref<10x40x128xf32, #tpu.memory_space<vmem>> -> memref<1x40x128xf32, #tpu.memory_space<vmem>>
      %dma_start3A_518 = tpu.memref_squeeze %dma_start3A_517 : memref<1x40x128xf32, #tpu.memory_space<vmem>> -> memref<40x128xf32, #tpu.memory_space<vmem>>
      tpu.enqueue_dma source(%dma_start3A_518 : memref<40x128xf32, #tpu.memory_space<vmem>>) target(%dma_start3A_514 : memref<40x128xf32, #tpu.memory_space<hbm>>) target_semaphore(%arg8 : memref<!tpu.dma_semaphore, #tpu.memory_space<semaphore_mem>>)
      %mul3A_519 = arith.constant 10 : i32
      %mul3A_520 = arith.muli %scan3A_157, %mul3A_519 : i32
      %add3A_521 = arith.constant 6 : i32
      %add3A_522 = arith.addi %mul3A_520, %add3A_521 : i32
      %mul3A_523 = arith.constant 40 : i32
      %mul3A_524 = arith.muli %add3A_522, %mul3A_523 : i32
      %dma_wait3A_525 = arith.constant 6 : i32
      %dma_wait3A_526 = arith.constant 0 : i32
      %dma_wait3A_527 = arith.constant 0 : i32
      %dma_wait3A_528 = tpu.memref_slice %arg6[%dma_wait3A_525, %dma_wait3A_526, %dma_wait3A_527] : memref<10x40x128xf32, #tpu.memory_space<vmem>> -> memref<1x40x128xf32, #tpu.memory_space<vmem>>
      %dma_wait3A_529 = tpu.memref_squeeze %dma_wait3A_528 : memref<1x40x128xf32, #tpu.memory_space<vmem>> -> memref<40x128xf32, #tpu.memory_space<vmem>>
      %dma_wait3A_530 = tpu.memref_slice %arg5[%mul3A_524] : memref<10000xi32, #tpu.memory_space<vmem>> -> memref<40xi32, #tpu.memory_space<vmem>>
      %dma_wait3A_531 = arith.constant 0 : i32
      %dma_wait3A_532 = arith.constant 0 : i32
      %dma_wait3A_533 = tpu.memref_slice %arg2[%dma_wait3A_531, %dma_wait3A_532] : memref<10000x128xf32, #tpu.memory_space<hbm>> -> memref<10000x128xf32, #tpu.memory_space<hbm>>
      tpu.wait_indirect_dma semaphore(%arg7 : memref<!tpu.dma_semaphore, #tpu.memory_space<semaphore_mem>>) src(%dma_wait3A_533 : memref<10000x128xf32, #tpu.memory_space<hbm>>) dst(%dma_wait3A_529 : memref<40x128xf32, #tpu.memory_space<vmem>>)
      %mul3A_534 = arith.constant 10 : i32
      %mul3A_535 = arith.muli %scan3A_157, %mul3A_534 : i32
      %add3A_536 = arith.constant 6 : i32
      %add3A_537 = arith.addi %mul3A_535, %add3A_536 : i32
      %mul3A_538 = arith.constant 40 : i32
      %mul3A_539 = arith.muli %add3A_537, %mul3A_538 : i32
      %add3A_540 = arith.addi %mul3A_2, %mul3A_539 : i32
      %dma_start3A_541 = arith.constant 6 : i32
      %dma_start3A_542 = arith.constant 0 : i32
      %dma_start3A_543 = arith.constant 0 : i32
      %dma_start3A_544 = tpu.memref_slice %arg6[%dma_start3A_541, %dma_start3A_542, %dma_start3A_543] : memref<10x40x128xf32, #tpu.memory_space<vmem>> -> memref<1x40x128xf32, #tpu.memory_space<vmem>>
      %dma_start3A_545 = tpu.memref_squeeze %dma_start3A_544 : memref<1x40x128xf32, #tpu.memory_space<vmem>> -> memref<40x128xf32, #tpu.memory_space<vmem>>
      %dma_start3A_546 = arith.constant 0 : i32
      %dma_start3A_547 = tpu.memref_slice %arg4[%add3A_540, %dma_start3A_546] : memref<320000x128xf32, #tpu.memory_space<hbm>> -> memref<40x128xf32, #tpu.memory_space<hbm>>
      %dma_start3A_548 = arith.constant 0 : i32
      %dma_start3A_549 = tpu.memref_slice %arg4[%add3A_540, %dma_start3A_548] : memref<320000x128xf32, #tpu.memory_space<hbm>> -> memref<40x128xf32, #tpu.memory_space<hbm>>
      %dma_start3A_550 = arith.constant 0 : i32
      %dma_start3A_551 = arith.constant 0 : i32
      %dma_start3A_552 = tpu.memref_slice %arg6[%dma_start3A_541, %dma_start3A_550, %dma_start3A_551] : memref<10x40x128xf32, #tpu.memory_space<vmem>> -> memref<1x40x128xf32, #tpu.memory_space<vmem>>
      %dma_start3A_553 = tpu.memref_squeeze %dma_start3A_552 : memref<1x40x128xf32, #tpu.memory_space<vmem>> -> memref<40x128xf32, #tpu.memory_space<vmem>>
      tpu.enqueue_dma source(%dma_start3A_553 : memref<40x128xf32, #tpu.memory_space<vmem>>) target(%dma_start3A_549 : memref<40x128xf32, #tpu.memory_space<hbm>>) target_semaphore(%arg8 : memref<!tpu.dma_semaphore, #tpu.memory_space<semaphore_mem>>)
      %mul3A_554 = arith.constant 10 : i32
      %mul3A_555 = arith.muli %scan3A_157, %mul3A_554 : i32
      %add3A_556 = arith.constant 7 : i32
      %add3A_557 = arith.addi %mul3A_555, %add3A_556 : i32
      %mul3A_558 = arith.constant 40 : i32
      %mul3A_559 = arith.muli %add3A_557, %mul3A_558 : i32
      %dma_wait3A_560 = arith.constant 7 : i32
      %dma_wait3A_561 = arith.constant 0 : i32
      %dma_wait3A_562 = arith.constant 0 : i32
      %dma_wait3A_563 = tpu.memref_slice %arg6[%dma_wait3A_560, %dma_wait3A_561, %dma_wait3A_562] : memref<10x40x128xf32, #tpu.memory_space<vmem>> -> memref<1x40x128xf32, #tpu.memory_space<vmem>>
      %dma_wait3A_564 = tpu.memref_squeeze %dma_wait3A_563 : memref<1x40x128xf32, #tpu.memory_space<vmem>> -> memref<40x128xf32, #tpu.memory_space<vmem>>
      %dma_wait3A_565 = tpu.memref_slice %arg5[%mul3A_559] : memref<10000xi32, #tpu.memory_space<vmem>> -> memref<40xi32, #tpu.memory_space<vmem>>
      %dma_wait3A_566 = arith.constant 0 : i32
      %dma_wait3A_567 = arith.constant 0 : i32
      %dma_wait3A_568 = tpu.memref_slice %arg2[%dma_wait3A_566, %dma_wait3A_567] : memref<10000x128xf32, #tpu.memory_space<hbm>> -> memref<10000x128xf32, #tpu.memory_space<hbm>>
      tpu.wait_indirect_dma semaphore(%arg7 : memref<!tpu.dma_semaphore, #tpu.memory_space<semaphore_mem>>) src(%dma_wait3A_568 : memref<10000x128xf32, #tpu.memory_space<hbm>>) dst(%dma_wait3A_564 : memref<40x128xf32, #tpu.memory_space<vmem>>)
      %mul3A_569 = arith.constant 10 : i32
      %mul3A_570 = arith.muli %scan3A_157, %mul3A_569 : i32
      %add3A_571 = arith.constant 7 : i32
      %add3A_572 = arith.addi %mul3A_570, %add3A_571 : i32
      %mul3A_573 = arith.constant 40 : i32
      %mul3A_574 = arith.muli %add3A_572, %mul3A_573 : i32
      %add3A_575 = arith.addi %mul3A_2, %mul3A_574 : i32
      %dma_start3A_576 = arith.constant 7 : i32
      %dma_start3A_577 = arith.constant 0 : i32
      %dma_start3A_578 = arith.constant 0 : i32
      %dma_start3A_579 = tpu.memref_slice %arg6[%dma_start3A_576, %dma_start3A_577, %dma_start3A_578] : memref<10x40x128xf32, #tpu.memory_space<vmem>> -> memref<1x40x128xf32, #tpu.memory_space<vmem>>
      %dma_start3A_580 = tpu.memref_squeeze %dma_start3A_579 : memref<1x40x128xf32, #tpu.memory_space<vmem>> -> memref<40x128xf32, #tpu.memory_space<vmem>>
      %dma_start3A_581 = arith.constant 0 : i32
      %dma_start3A_582 = tpu.memref_slice %arg4[%add3A_575, %dma_start3A_581] : memref<320000x128xf32, #tpu.memory_space<hbm>> -> memref<40x128xf32, #tpu.memory_space<hbm>>
      %dma_start3A_583 = arith.constant 0 : i32
      %dma_start3A_584 = tpu.memref_slice %arg4[%add3A_575, %dma_start3A_583] : memref<320000x128xf32, #tpu.memory_space<hbm>> -> memref<40x128xf32, #tpu.memory_space<hbm>>
      %dma_start3A_585 = arith.constant 0 : i32
      %dma_start3A_586 = arith.constant 0 : i32
      %dma_start3A_587 = tpu.memref_slice %arg6[%dma_start3A_576, %dma_start3A_585, %dma_start3A_586] : memref<10x40x128xf32, #tpu.memory_space<vmem>> -> memref<1x40x128xf32, #tpu.memory_space<vmem>>
      %dma_start3A_588 = tpu.memref_squeeze %dma_start3A_587 : memref<1x40x128xf32, #tpu.memory_space<vmem>> -> memref<40x128xf32, #tpu.memory_space<vmem>>
      tpu.enqueue_dma source(%dma_start3A_588 : memref<40x128xf32, #tpu.memory_space<vmem>>) target(%dma_start3A_584 : memref<40x128xf32, #tpu.memory_space<hbm>>) target_semaphore(%arg8 : memref<!tpu.dma_semaphore, #tpu.memory_space<semaphore_mem>>)
      %mul3A_589 = arith.constant 10 : i32
      %mul3A_590 = arith.muli %scan3A_157, %mul3A_589 : i32
      %add3A_591 = arith.constant 8 : i32
      %add3A_592 = arith.addi %mul3A_590, %add3A_591 : i32
      %mul3A_593 = arith.constant 40 : i32
      %mul3A_594 = arith.muli %add3A_592, %mul3A_593 : i32
      %dma_wait3A_595 = arith.constant 8 : i32
      %dma_wait3A_596 = arith.constant 0 : i32
      %dma_wait3A_597 = arith.constant 0 : i32
      %dma_wait3A_598 = tpu.memref_slice %arg6[%dma_wait3A_595, %dma_wait3A_596, %dma_wait3A_597] : memref<10x40x128xf32, #tpu.memory_space<vmem>> -> memref<1x40x128xf32, #tpu.memory_space<vmem>>
      %dma_wait3A_599 = tpu.memref_squeeze %dma_wait3A_598 : memref<1x40x128xf32, #tpu.memory_space<vmem>> -> memref<40x128xf32, #tpu.memory_space<vmem>>
      %dma_wait3A_600 = tpu.memref_slice %arg5[%mul3A_594] : memref<10000xi32, #tpu.memory_space<vmem>> -> memref<40xi32, #tpu.memory_space<vmem>>
      %dma_wait3A_601 = arith.constant 0 : i32
      %dma_wait3A_602 = arith.constant 0 : i32
      %dma_wait3A_603 = tpu.memref_slice %arg2[%dma_wait3A_601, %dma_wait3A_602] : memref<10000x128xf32, #tpu.memory_space<hbm>> -> memref<10000x128xf32, #tpu.memory_space<hbm>>
      tpu.wait_indirect_dma semaphore(%arg7 : memref<!tpu.dma_semaphore, #tpu.memory_space<semaphore_mem>>) src(%dma_wait3A_603 : memref<10000x128xf32, #tpu.memory_space<hbm>>) dst(%dma_wait3A_599 : memref<40x128xf32, #tpu.memory_space<vmem>>)
      %mul3A_604 = arith.constant 10 : i32
      %mul3A_605 = arith.muli %scan3A_157, %mul3A_604 : i32
      %add3A_606 = arith.constant 8 : i32
      %add3A_607 = arith.addi %mul3A_605, %add3A_606 : i32
      %mul3A_608 = arith.constant 40 : i32
      %mul3A_609 = arith.muli %add3A_607, %mul3A_608 : i32
      %add3A_610 = arith.addi %mul3A_2, %mul3A_609 : i32
      %dma_start3A_611 = arith.constant 8 : i32
      %dma_start3A_612 = arith.constant 0 : i32
      %dma_start3A_613 = arith.constant 0 : i32
      %dma_start3A_614 = tpu.memref_slice %arg6[%dma_start3A_611, %dma_start3A_612, %dma_start3A_613] : memref<10x40x128xf32, #tpu.memory_space<vmem>> -> memref<1x40x128xf32, #tpu.memory_space<vmem>>
      %dma_start3A_615 = tpu.memref_squeeze %dma_start3A_614 : memref<1x40x128xf32, #tpu.memory_space<vmem>> -> memref<40x128xf32, #tpu.memory_space<vmem>>
      %dma_start3A_616 = arith.constant 0 : i32
      %dma_start3A_617 = tpu.memref_slice %arg4[%add3A_610, %dma_start3A_616] : memref<320000x128xf32, #tpu.memory_space<hbm>> -> memref<40x128xf32, #tpu.memory_space<hbm>>
      %dma_start3A_618 = arith.constant 0 : i32
      %dma_start3A_619 = tpu.memref_slice %arg4[%add3A_610, %dma_start3A_618] : memref<320000x128xf32, #tpu.memory_space<hbm>> -> memref<40x128xf32, #tpu.memory_space<hbm>>
      %dma_start3A_620 = arith.constant 0 : i32
      %dma_start3A_621 = arith.constant 0 : i32
      %dma_start3A_622 = tpu.memref_slice %arg6[%dma_start3A_611, %dma_start3A_620, %dma_start3A_621] : memref<10x40x128xf32, #tpu.memory_space<vmem>> -> memref<1x40x128xf32, #tpu.memory_space<vmem>>
      %dma_start3A_623 = tpu.memref_squeeze %dma_start3A_622 : memref<1x40x128xf32, #tpu.memory_space<vmem>> -> memref<40x128xf32, #tpu.memory_space<vmem>>
      tpu.enqueue_dma source(%dma_start3A_623 : memref<40x128xf32, #tpu.memory_space<vmem>>) target(%dma_start3A_619 : memref<40x128xf32, #tpu.memory_space<hbm>>) target_semaphore(%arg8 : memref<!tpu.dma_semaphore, #tpu.memory_space<semaphore_mem>>)
      %mul3A_624 = arith.constant 10 : i32
      %mul3A_625 = arith.muli %scan3A_157, %mul3A_624 : i32
      %add3A_626 = arith.constant 9 : i32
      %add3A_627 = arith.addi %mul3A_625, %add3A_626 : i32
      %mul3A_628 = arith.constant 40 : i32
      %mul3A_629 = arith.muli %add3A_627, %mul3A_628 : i32
      %dma_wait3A_630 = arith.constant 9 : i32
      %dma_wait3A_631 = arith.constant 0 : i32
      %dma_wait3A_632 = arith.constant 0 : i32
      %dma_wait3A_633 = tpu.memref_slice %arg6[%dma_wait3A_630, %dma_wait3A_631, %dma_wait3A_632] : memref<10x40x128xf32, #tpu.memory_space<vmem>> -> memref<1x40x128xf32, #tpu.memory_space<vmem>>
      %dma_wait3A_634 = tpu.memref_squeeze %dma_wait3A_633 : memref<1x40x128xf32, #tpu.memory_space<vmem>> -> memref<40x128xf32, #tpu.memory_space<vmem>>
      %dma_wait3A_635 = tpu.memref_slice %arg5[%mul3A_629] : memref<10000xi32, #tpu.memory_space<vmem>> -> memref<40xi32, #tpu.memory_space<vmem>>
      %dma_wait3A_636 = arith.constant 0 : i32
      %dma_wait3A_637 = arith.constant 0 : i32
      %dma_wait3A_638 = tpu.memref_slice %arg2[%dma_wait3A_636, %dma_wait3A_637] : memref<10000x128xf32, #tpu.memory_space<hbm>> -> memref<10000x128xf32, #tpu.memory_space<hbm>>
      tpu.wait_indirect_dma semaphore(%arg7 : memref<!tpu.dma_semaphore, #tpu.memory_space<semaphore_mem>>) src(%dma_wait3A_638 : memref<10000x128xf32, #tpu.memory_space<hbm>>) dst(%dma_wait3A_634 : memref<40x128xf32, #tpu.memory_space<vmem>>)
      %mul3A_639 = arith.constant 10 : i32
      %mul3A_640 = arith.muli %scan3A_157, %mul3A_639 : i32
      %add3A_641 = arith.constant 9 : i32
      %add3A_642 = arith.addi %mul3A_640, %add3A_641 : i32
      %mul3A_643 = arith.constant 40 : i32
      %mul3A_644 = arith.muli %add3A_642, %mul3A_643 : i32
      %add3A_645 = arith.addi %mul3A_2, %mul3A_644 : i32
      %dma_start3A_646 = arith.constant 9 : i32
      %dma_start3A_647 = arith.constant 0 : i32
      %dma_start3A_648 = arith.constant 0 : i32
      %dma_start3A_649 = tpu.memref_slice %arg6[%dma_start3A_646, %dma_start3A_647, %dma_start3A_648] : memref<10x40x128xf32, #tpu.memory_space<vmem>> -> memref<1x40x128xf32, #tpu.memory_space<vmem>>
      %dma_start3A_650 = tpu.memref_squeeze %dma_start3A_649 : memref<1x40x128xf32, #tpu.memory_space<vmem>> -> memref<40x128xf32, #tpu.memory_space<vmem>>
      %dma_start3A_651 = arith.constant 0 : i32
      %dma_start3A_652 = tpu.memref_slice %arg4[%add3A_645, %dma_start3A_651] : memref<320000x128xf32, #tpu.memory_space<hbm>> -> memref<40x128xf32, #tpu.memory_space<hbm>>
      %dma_start3A_653 = arith.constant 0 : i32
      %dma_start3A_654 = tpu.memref_slice %arg4[%add3A_645, %dma_start3A_653] : memref<320000x128xf32, #tpu.memory_space<hbm>> -> memref<40x128xf32, #tpu.memory_space<hbm>>
      %dma_start3A_655 = arith.constant 0 : i32
      %dma_start3A_656 = arith.constant 0 : i32
      %dma_start3A_657 = tpu.memref_slice %arg6[%dma_start3A_646, %dma_start3A_655, %dma_start3A_656] : memref<10x40x128xf32, #tpu.memory_space<vmem>> -> memref<1x40x128xf32, #tpu.memory_space<vmem>>
      %dma_start3A_658 = tpu.memref_squeeze %dma_start3A_657 : memref<1x40x128xf32, #tpu.memory_space<vmem>> -> memref<40x128xf32, #tpu.memory_space<vmem>>
      tpu.enqueue_dma source(%dma_start3A_658 : memref<40x128xf32, #tpu.memory_space<vmem>>) target(%dma_start3A_654 : memref<40x128xf32, #tpu.memory_space<hbm>>) target_semaphore(%arg8 : memref<!tpu.dma_semaphore, #tpu.memory_space<semaphore_mem>>)
    }
    %scan3A_7 = arith.constant 25 : i32
    %add3A_8 = arith.constant 0 : i32
    %add3A_9 = arith.addi %mul3A_2, %add3A_8 : i32
    %dma_wait3A = arith.constant 0 : i32
    %dma_wait3A_10 = arith.constant 0 : i32
    %dma_wait3A_11 = arith.constant 0 : i32
    %dma_wait3A_12 = tpu.memref_slice %arg6[%dma_wait3A, %dma_wait3A_10, %dma_wait3A_11] : memref<10x40x128xf32, #tpu.memory_space<vmem>> -> memref<1x40x128xf32, #tpu.memory_space<vmem>>
    %dma_wait3A_13 = tpu.memref_squeeze %dma_wait3A_12 : memref<1x40x128xf32, #tpu.memory_space<vmem>> -> memref<40x128xf32, #tpu.memory_space<vmem>>
    %dma_wait3A_14 = arith.constant 0 : i32
    %dma_wait3A_15 = tpu.memref_slice %arg4[%add3A_9, %dma_wait3A_14] : memref<320000x128xf32, #tpu.memory_space<hbm>> -> memref<40x128xf32, #tpu.memory_space<hbm>>
    %dma_wait3A_16 = arith.constant 0 : i32
    %dma_wait3A_17 = tpu.memref_slice %arg4[%add3A_9, %dma_wait3A_16] : memref<320000x128xf32, #tpu.memory_space<hbm>> -> memref<40x128xf32, #tpu.memory_space<hbm>>
    %dma_wait3A_18 = arith.constant 0 : i32
    %dma_wait3A_19 = arith.constant 0 : i32
    %dma_wait3A_20 = tpu.memref_slice %arg6[%dma_wait3A, %dma_wait3A_18, %dma_wait3A_19] : memref<10x40x128xf32, #tpu.memory_space<vmem>> -> memref<1x40x128xf32, #tpu.memory_space<vmem>>
    %dma_wait3A_21 = tpu.memref_squeeze %dma_wait3A_20 : memref<1x40x128xf32, #tpu.memory_space<vmem>> -> memref<40x128xf32, #tpu.memory_space<vmem>>
    tpu.wait_dma2 semaphore(%arg8 : memref<!tpu.dma_semaphore, #tpu.memory_space<semaphore_mem>>) src(%dma_wait3A_21 : memref<40x128xf32, #tpu.memory_space<vmem>>) dst(%dma_wait3A_17 : memref<40x128xf32, #tpu.memory_space<hbm>>)
    %add3A_22 = arith.constant 0 : i32
    %add3A_23 = arith.addi %mul3A_2, %add3A_22 : i32
    %dma_wait3A_24 = arith.constant 1 : i32
    %dma_wait3A_25 = arith.constant 0 : i32
    %dma_wait3A_26 = arith.constant 0 : i32
    %dma_wait3A_27 = tpu.memref_slice %arg6[%dma_wait3A_24, %dma_wait3A_25, %dma_wait3A_26] : memref<10x40x128xf32, #tpu.memory_space<vmem>> -> memref<1x40x128xf32, #tpu.memory_space<vmem>>
    %dma_wait3A_28 = tpu.memref_squeeze %dma_wait3A_27 : memref<1x40x128xf32, #tpu.memory_space<vmem>> -> memref<40x128xf32, #tpu.memory_space<vmem>>
    %dma_wait3A_29 = arith.constant 0 : i32
    %dma_wait3A_30 = tpu.memref_slice %arg4[%add3A_23, %dma_wait3A_29] : memref<320000x128xf32, #tpu.memory_space<hbm>> -> memref<40x128xf32, #tpu.memory_space<hbm>>
    %dma_wait3A_31 = arith.constant 0 : i32
    %dma_wait3A_32 = tpu.memref_slice %arg4[%add3A_23, %dma_wait3A_31] : memref<320000x128xf32, #tpu.memory_space<hbm>> -> memref<40x128xf32, #tpu.memory_space<hbm>>
    %dma_wait3A_33 = arith.constant 0 : i32
    %dma_wait3A_34 = arith.constant 0 : i32
    %dma_wait3A_35 = tpu.memref_slice %arg6[%dma_wait3A_24, %dma_wait3A_33, %dma_wait3A_34] : memref<10x40x128xf32, #tpu.memory_space<vmem>> -> memref<1x40x128xf32, #tpu.memory_space<vmem>>
    %dma_wait3A_36 = tpu.memref_squeeze %dma_wait3A_35 : memref<1x40x128xf32, #tpu.memory_space<vmem>> -> memref<40x128xf32, #tpu.memory_space<vmem>>
    tpu.wait_dma2 semaphore(%arg8 : memref<!tpu.dma_semaphore, #tpu.memory_space<semaphore_mem>>) src(%dma_wait3A_36 : memref<40x128xf32, #tpu.memory_space<vmem>>) dst(%dma_wait3A_32 : memref<40x128xf32, #tpu.memory_space<hbm>>)
    %add3A_37 = arith.constant 0 : i32
    %add3A_38 = arith.addi %mul3A_2, %add3A_37 : i32
    %dma_wait3A_39 = arith.constant 2 : i32
    %dma_wait3A_40 = arith.constant 0 : i32
    %dma_wait3A_41 = arith.constant 0 : i32
    %dma_wait3A_42 = tpu.memref_slice %arg6[%dma_wait3A_39, %dma_wait3A_40, %dma_wait3A_41] : memref<10x40x128xf32, #tpu.memory_space<vmem>> -> memref<1x40x128xf32, #tpu.memory_space<vmem>>
    %dma_wait3A_43 = tpu.memref_squeeze %dma_wait3A_42 : memref<1x40x128xf32, #tpu.memory_space<vmem>> -> memref<40x128xf32, #tpu.memory_space<vmem>>
    %dma_wait3A_44 = arith.constant 0 : i32
    %dma_wait3A_45 = tpu.memref_slice %arg4[%add3A_38, %dma_wait3A_44] : memref<320000x128xf32, #tpu.memory_space<hbm>> -> memref<40x128xf32, #tpu.memory_space<hbm>>
    %dma_wait3A_46 = arith.constant 0 : i32
    %dma_wait3A_47 = tpu.memref_slice %arg4[%add3A_38, %dma_wait3A_46] : memref<320000x128xf32, #tpu.memory_space<hbm>> -> memref<40x128xf32, #tpu.memory_space<hbm>>
    %dma_wait3A_48 = arith.constant 0 : i32
    %dma_wait3A_49 = arith.constant 0 : i32
    %dma_wait3A_50 = tpu.memref_slice %arg6[%dma_wait3A_39, %dma_wait3A_48, %dma_wait3A_49] : memref<10x40x128xf32, #tpu.memory_space<vmem>> -> memref<1x40x128xf32, #tpu.memory_space<vmem>>
    %dma_wait3A_51 = tpu.memref_squeeze %dma_wait3A_50 : memref<1x40x128xf32, #tpu.memory_space<vmem>> -> memref<40x128xf32, #tpu.memory_space<vmem>>
    tpu.wait_dma2 semaphore(%arg8 : memref<!tpu.dma_semaphore, #tpu.memory_space<semaphore_mem>>) src(%dma_wait3A_51 : memref<40x128xf32, #tpu.memory_space<vmem>>) dst(%dma_wait3A_47 : memref<40x128xf32, #tpu.memory_space<hbm>>)
    %add3A_52 = arith.constant 0 : i32
    %add3A_53 = arith.addi %mul3A_2, %add3A_52 : i32
    %dma_wait3A_54 = arith.constant 3 : i32
    %dma_wait3A_55 = arith.constant 0 : i32
    %dma_wait3A_56 = arith.constant 0 : i32
    %dma_wait3A_57 = tpu.memref_slice %arg6[%dma_wait3A_54, %dma_wait3A_55, %dma_wait3A_56] : memref<10x40x128xf32, #tpu.memory_space<vmem>> -> memref<1x40x128xf32, #tpu.memory_space<vmem>>
    %dma_wait3A_58 = tpu.memref_squeeze %dma_wait3A_57 : memref<1x40x128xf32, #tpu.memory_space<vmem>> -> memref<40x128xf32, #tpu.memory_space<vmem>>
    %dma_wait3A_59 = arith.constant 0 : i32
    %dma_wait3A_60 = tpu.memref_slice %arg4[%add3A_53, %dma_wait3A_59] : memref<320000x128xf32, #tpu.memory_space<hbm>> -> memref<40x128xf32, #tpu.memory_space<hbm>>
    %dma_wait3A_61 = arith.constant 0 : i32
    %dma_wait3A_62 = tpu.memref_slice %arg4[%add3A_53, %dma_wait3A_61] : memref<320000x128xf32, #tpu.memory_space<hbm>> -> memref<40x128xf32, #tpu.memory_space<hbm>>
    %dma_wait3A_63 = arith.constant 0 : i32
    %dma_wait3A_64 = arith.constant 0 : i32
    %dma_wait3A_65 = tpu.memref_slice %arg6[%dma_wait3A_54, %dma_wait3A_63, %dma_wait3A_64] : memref<10x40x128xf32, #tpu.memory_space<vmem>> -> memref<1x40x128xf32, #tpu.memory_space<vmem>>
    %dma_wait3A_66 = tpu.memref_squeeze %dma_wait3A_65 : memref<1x40x128xf32, #tpu.memory_space<vmem>> -> memref<40x128xf32, #tpu.memory_space<vmem>>
    tpu.wait_dma2 semaphore(%arg8 : memref<!tpu.dma_semaphore, #tpu.memory_space<semaphore_mem>>) src(%dma_wait3A_66 : memref<40x128xf32, #tpu.memory_space<vmem>>) dst(%dma_wait3A_62 : memref<40x128xf32, #tpu.memory_space<hbm>>)
    %add3A_67 = arith.constant 0 : i32
    %add3A_68 = arith.addi %mul3A_2, %add3A_67 : i32
    %dma_wait3A_69 = arith.constant 4 : i32
    %dma_wait3A_70 = arith.constant 0 : i32
    %dma_wait3A_71 = arith.constant 0 : i32
    %dma_wait3A_72 = tpu.memref_slice %arg6[%dma_wait3A_69, %dma_wait3A_70, %dma_wait3A_71] : memref<10x40x128xf32, #tpu.memory_space<vmem>> -> memref<1x40x128xf32, #tpu.memory_space<vmem>>
    %dma_wait3A_73 = tpu.memref_squeeze %dma_wait3A_72 : memref<1x40x128xf32, #tpu.memory_space<vmem>> -> memref<40x128xf32, #tpu.memory_space<vmem>>
    %dma_wait3A_74 = arith.constant 0 : i32
    %dma_wait3A_75 = tpu.memref_slice %arg4[%add3A_68, %dma_wait3A_74] : memref<320000x128xf32, #tpu.memory_space<hbm>> -> memref<40x128xf32, #tpu.memory_space<hbm>>
    %dma_wait3A_76 = arith.constant 0 : i32
    %dma_wait3A_77 = tpu.memref_slice %arg4[%add3A_68, %dma_wait3A_76] : memref<320000x128xf32, #tpu.memory_space<hbm>> -> memref<40x128xf32, #tpu.memory_space<hbm>>
    %dma_wait3A_78 = arith.constant 0 : i32
    %dma_wait3A_79 = arith.constant 0 : i32
    %dma_wait3A_80 = tpu.memref_slice %arg6[%dma_wait3A_69, %dma_wait3A_78, %dma_wait3A_79] : memref<10x40x128xf32, #tpu.memory_space<vmem>> -> memref<1x40x128xf32, #tpu.memory_space<vmem>>
    %dma_wait3A_81 = tpu.memref_squeeze %dma_wait3A_80 : memref<1x40x128xf32, #tpu.memory_space<vmem>> -> memref<40x128xf32, #tpu.memory_space<vmem>>
    tpu.wait_dma2 semaphore(%arg8 : memref<!tpu.dma_semaphore, #tpu.memory_space<semaphore_mem>>) src(%dma_wait3A_81 : memref<40x128xf32, #tpu.memory_space<vmem>>) dst(%dma_wait3A_77 : memref<40x128xf32, #tpu.memory_space<hbm>>)
    %add3A_82 = arith.constant 0 : i32
    %add3A_83 = arith.addi %mul3A_2, %add3A_82 : i32
    %dma_wait3A_84 = arith.constant 5 : i32
    %dma_wait3A_85 = arith.constant 0 : i32
    %dma_wait3A_86 = arith.constant 0 : i32
    %dma_wait3A_87 = tpu.memref_slice %arg6[%dma_wait3A_84, %dma_wait3A_85, %dma_wait3A_86] : memref<10x40x128xf32, #tpu.memory_space<vmem>> -> memref<1x40x128xf32, #tpu.memory_space<vmem>>
    %dma_wait3A_88 = tpu.memref_squeeze %dma_wait3A_87 : memref<1x40x128xf32, #tpu.memory_space<vmem>> -> memref<40x128xf32, #tpu.memory_space<vmem>>
    %dma_wait3A_89 = arith.constant 0 : i32
    %dma_wait3A_90 = tpu.memref_slice %arg4[%add3A_83, %dma_wait3A_89] : memref<320000x128xf32, #tpu.memory_space<hbm>> -> memref<40x128xf32, #tpu.memory_space<hbm>>
    %dma_wait3A_91 = arith.constant 0 : i32
    %dma_wait3A_92 = tpu.memref_slice %arg4[%add3A_83, %dma_wait3A_91] : memref<320000x128xf32, #tpu.memory_space<hbm>> -> memref<40x128xf32, #tpu.memory_space<hbm>>
    %dma_wait3A_93 = arith.constant 0 : i32
    %dma_wait3A_94 = arith.constant 0 : i32
    %dma_wait3A_95 = tpu.memref_slice %arg6[%dma_wait3A_84, %dma_wait3A_93, %dma_wait3A_94] : memref<10x40x128xf32, #tpu.memory_space<vmem>> -> memref<1x40x128xf32, #tpu.memory_space<vmem>>
    %dma_wait3A_96 = tpu.memref_squeeze %dma_wait3A_95 : memref<1x40x128xf32, #tpu.memory_space<vmem>> -> memref<40x128xf32, #tpu.memory_space<vmem>>
    tpu.wait_dma2 semaphore(%arg8 : memref<!tpu.dma_semaphore, #tpu.memory_space<semaphore_mem>>) src(%dma_wait3A_96 : memref<40x128xf32, #tpu.memory_space<vmem>>) dst(%dma_wait3A_92 : memref<40x128xf32, #tpu.memory_space<hbm>>)
    %add3A_97 = arith.constant 0 : i32
    %add3A_98 = arith.addi %mul3A_2, %add3A_97 : i32
    %dma_wait3A_99 = arith.constant 6 : i32
    %dma_wait3A_100 = arith.constant 0 : i32
    %dma_wait3A_101 = arith.constant 0 : i32
    %dma_wait3A_102 = tpu.memref_slice %arg6[%dma_wait3A_99, %dma_wait3A_100, %dma_wait3A_101] : memref<10x40x128xf32, #tpu.memory_space<vmem>> -> memref<1x40x128xf32, #tpu.memory_space<vmem>>
    %dma_wait3A_103 = tpu.memref_squeeze %dma_wait3A_102 : memref<1x40x128xf32, #tpu.memory_space<vmem>> -> memref<40x128xf32, #tpu.memory_space<vmem>>
    %dma_wait3A_104 = arith.constant 0 : i32
    %dma_wait3A_105 = tpu.memref_slice %arg4[%add3A_98, %dma_wait3A_104] : memref<320000x128xf32, #tpu.memory_space<hbm>> -> memref<40x128xf32, #tpu.memory_space<hbm>>
    %dma_wait3A_106 = arith.constant 0 : i32
    %dma_wait3A_107 = tpu.memref_slice %arg4[%add3A_98, %dma_wait3A_106] : memref<320000x128xf32, #tpu.memory_space<hbm>> -> memref<40x128xf32, #tpu.memory_space<hbm>>
    %dma_wait3A_108 = arith.constant 0 : i32
    %dma_wait3A_109 = arith.constant 0 : i32
    %dma_wait3A_110 = tpu.memref_slice %arg6[%dma_wait3A_99, %dma_wait3A_108, %dma_wait3A_109] : memref<10x40x128xf32, #tpu.memory_space<vmem>> -> memref<1x40x128xf32, #tpu.memory_space<vmem>>
    %dma_wait3A_111 = tpu.memref_squeeze %dma_wait3A_110 : memref<1x40x128xf32, #tpu.memory_space<vmem>> -> memref<40x128xf32, #tpu.memory_space<vmem>>
    tpu.wait_dma2 semaphore(%arg8 : memref<!tpu.dma_semaphore, #tpu.memory_space<semaphore_mem>>) src(%dma_wait3A_111 : memref<40x128xf32, #tpu.memory_space<vmem>>) dst(%dma_wait3A_107 : memref<40x128xf32, #tpu.memory_space<hbm>>)
    %add3A_112 = arith.constant 0 : i32
    %add3A_113 = arith.addi %mul3A_2, %add3A_112 : i32
    %dma_wait3A_114 = arith.constant 7 : i32
    %dma_wait3A_115 = arith.constant 0 : i32
    %dma_wait3A_116 = arith.constant 0 : i32
    %dma_wait3A_117 = tpu.memref_slice %arg6[%dma_wait3A_114, %dma_wait3A_115, %dma_wait3A_116] : memref<10x40x128xf32, #tpu.memory_space<vmem>> -> memref<1x40x128xf32, #tpu.memory_space<vmem>>
    %dma_wait3A_118 = tpu.memref_squeeze %dma_wait3A_117 : memref<1x40x128xf32, #tpu.memory_space<vmem>> -> memref<40x128xf32, #tpu.memory_space<vmem>>
    %dma_wait3A_119 = arith.constant 0 : i32
    %dma_wait3A_120 = tpu.memref_slice %arg4[%add3A_113, %dma_wait3A_119] : memref<320000x128xf32, #tpu.memory_space<hbm>> -> memref<40x128xf32, #tpu.memory_space<hbm>>
    %dma_wait3A_121 = arith.constant 0 : i32
    %dma_wait3A_122 = tpu.memref_slice %arg4[%add3A_113, %dma_wait3A_121] : memref<320000x128xf32, #tpu.memory_space<hbm>> -> memref<40x128xf32, #tpu.memory_space<hbm>>
    %dma_wait3A_123 = arith.constant 0 : i32
    %dma_wait3A_124 = arith.constant 0 : i32
    %dma_wait3A_125 = tpu.memref_slice %arg6[%dma_wait3A_114, %dma_wait3A_123, %dma_wait3A_124] : memref<10x40x128xf32, #tpu.memory_space<vmem>> -> memref<1x40x128xf32, #tpu.memory_space<vmem>>
    %dma_wait3A_126 = tpu.memref_squeeze %dma_wait3A_125 : memref<1x40x128xf32, #tpu.memory_space<vmem>> -> memref<40x128xf32, #tpu.memory_space<vmem>>
    tpu.wait_dma2 semaphore(%arg8 : memref<!tpu.dma_semaphore, #tpu.memory_space<semaphore_mem>>) src(%dma_wait3A_126 : memref<40x128xf32, #tpu.memory_space<vmem>>) dst(%dma_wait3A_122 : memref<40x128xf32, #tpu.memory_space<hbm>>)
    %add3A_127 = arith.constant 0 : i32
    %add3A_128 = arith.addi %mul3A_2, %add3A_127 : i32
    %dma_wait3A_129 = arith.constant 8 : i32
    %dma_wait3A_130 = arith.constant 0 : i32
    %dma_wait3A_131 = arith.constant 0 : i32
    %dma_wait3A_132 = tpu.memref_slice %arg6[%dma_wait3A_129, %dma_wait3A_130, %dma_wait3A_131] : memref<10x40x128xf32, #tpu.memory_space<vmem>> -> memref<1x40x128xf32, #tpu.memory_space<vmem>>
    %dma_wait3A_133 = tpu.memref_squeeze %dma_wait3A_132 : memref<1x40x128xf32, #tpu.memory_space<vmem>> -> memref<40x128xf32, #tpu.memory_space<vmem>>
    %dma_wait3A_134 = arith.constant 0 : i32
    %dma_wait3A_135 = tpu.memref_slice %arg4[%add3A_128, %dma_wait3A_134] : memref<320000x128xf32, #tpu.memory_space<hbm>> -> memref<40x128xf32, #tpu.memory_space<hbm>>
    %dma_wait3A_136 = arith.constant 0 : i32
    %dma_wait3A_137 = tpu.memref_slice %arg4[%add3A_128, %dma_wait3A_136] : memref<320000x128xf32, #tpu.memory_space<hbm>> -> memref<40x128xf32, #tpu.memory_space<hbm>>
    %dma_wait3A_138 = arith.constant 0 : i32
    %dma_wait3A_139 = arith.constant 0 : i32
    %dma_wait3A_140 = tpu.memref_slice %arg6[%dma_wait3A_129, %dma_wait3A_138, %dma_wait3A_139] : memref<10x40x128xf32, #tpu.memory_space<vmem>> -> memref<1x40x128xf32, #tpu.memory_space<vmem>>
    %dma_wait3A_141 = tpu.memref_squeeze %dma_wait3A_140 : memref<1x40x128xf32, #tpu.memory_space<vmem>> -> memref<40x128xf32, #tpu.memory_space<vmem>>
    tpu.wait_dma2 semaphore(%arg8 : memref<!tpu.dma_semaphore, #tpu.memory_space<semaphore_mem>>) src(%dma_wait3A_141 : memref<40x128xf32, #tpu.memory_space<vmem>>) dst(%dma_wait3A_137 : memref<40x128xf32, #tpu.memory_space<hbm>>)
    %add3A_142 = arith.constant 0 : i32
    %add3A_143 = arith.addi %mul3A_2, %add3A_142 : i32
    %dma_wait3A_144 = arith.constant 9 : i32
    %dma_wait3A_145 = arith.constant 0 : i32
    %dma_wait3A_146 = arith.constant 0 : i32
    %dma_wait3A_147 = tpu.memref_slice %arg6[%dma_wait3A_144, %dma_wait3A_145, %dma_wait3A_146] : memref<10x40x128xf32, #tpu.memory_space<vmem>> -> memref<1x40x128xf32, #tpu.memory_space<vmem>>
    %dma_wait3A_148 = tpu.memref_squeeze %dma_wait3A_147 : memref<1x40x128xf32, #tpu.memory_space<vmem>> -> memref<40x128xf32, #tpu.memory_space<vmem>>
    %dma_wait3A_149 = arith.constant 0 : i32
    %dma_wait3A_150 = tpu.memref_slice %arg4[%add3A_143, %dma_wait3A_149] : memref<320000x128xf32, #tpu.memory_space<hbm>> -> memref<40x128xf32, #tpu.memory_space<hbm>>
    %dma_wait3A_151 = arith.constant 0 : i32
    %dma_wait3A_152 = tpu.memref_slice %arg4[%add3A_143, %dma_wait3A_151] : memref<320000x128xf32, #tpu.memory_space<hbm>> -> memref<40x128xf32, #tpu.memory_space<hbm>>
    %dma_wait3A_153 = arith.constant 0 : i32
    %dma_wait3A_154 = arith.constant 0 : i32
    %dma_wait3A_155 = tpu.memref_slice %arg6[%dma_wait3A_144, %dma_wait3A_153, %dma_wait3A_154] : memref<10x40x128xf32, #tpu.memory_space<vmem>> -> memref<1x40x128xf32, #tpu.memory_space<vmem>>
    %dma_wait3A_156 = tpu.memref_squeeze %dma_wait3A_155 : memref<1x40x128xf32, #tpu.memory_space<vmem>> -> memref<40x128xf32, #tpu.memory_space<vmem>>
    tpu.wait_dma2 semaphore(%arg8 : memref<!tpu.dma_semaphore, #tpu.memory_space<semaphore_mem>>) src(%dma_wait3A_156 : memref<40x128xf32, #tpu.memory_space<vmem>>) dst(%dma_wait3A_152 : memref<40x128xf32, #tpu.memory_space<hbm>>)
    return
  }
}

module attributes {stable_mosaic.version = 14 : i64} {
  func.func @_pq_body(%arg0: i32, %arg1: memref<2000x128xf32, #tpu.memory_space<vmem>>, %arg2: memref<128x288xf32, #tpu.memory_space<vmem>>, %arg3: memref<2000x288xf32, #tpu.memory_space<vmem>>) attributes {dimension_semantics = [#tpu.dimension_semantics<arbitrary>], iteration_bounds = array<i64: 5>, scalar_prefetch = 0 : i64, scratch_operands = 0 : i64, tpu.core_type = #tpu.core_type<tc>, window_params = [{transform_indices = @transform_0, window_bounds = array<i64: 2000, 128>}, {pipeline_mode = #tpu.pipeline_mode<synchronous>, transform_indices = @transform_1, window_bounds = array<i64: 128, 288>}, {transform_indices = @transform_2, window_bounds = array<i64: 2000, 288>}]} {
    %get3A = arith.constant 0 : index
    %get3A_0 = arith.constant 0 : index
    %get3A_1 = vector.load %arg1[%get3A, %get3A_0] : memref<2000x128xf32, #tpu.memory_space<vmem>>, vector<2000x128xf32>
    %get3A_2 = arith.constant 0 : index
    %get3A_3 = arith.constant 0 : index
    %get3A_4 = vector.load %arg2[%get3A_2, %get3A_3] : memref<128x288xf32, #tpu.memory_space<vmem>>, vector<128x288xf32>
    %dot_general3A = arith.constant dense<0.000000e+00> : vector<2000x288xf32>
    %dot_general3A_5 = tpu.matmul %get3A_1, %get3A_4, %dot_general3A {dimension_numbers = #tpu.dot_dimension_numbers<[1], [0], [0], [1], [0, 0, 1, 1], [], []>, transpose_lhs_hint = false} : vector<2000x128xf32>, vector<128x288xf32>, vector<2000x288xf32> -> vector<2000x288xf32>
    %swap3A = arith.constant 0 : index
    %swap3A_6 = arith.constant 0 : index
    %swap3A_7 = vector.load %arg3[%swap3A, %swap3A_6] : memref<2000x288xf32, #tpu.memory_space<vmem>>, vector<2000x288xf32>
    tpu.vector_store %arg3[%swap3A, %swap3A_6], %dot_general3A_5 {strides = array<i32>} : memref<2000x288xf32, #tpu.memory_space<vmem>>, vector<2000x288xf32>,
    return
  }
  func.func @transform_0(%arg0: i32) -> (i32, i32) {
    %c0_i32 = arith.constant 0 : i32
    %c0_i32_0 = arith.constant 0 : i32
    return %arg0, %c0_i32 : i32, i32
  }
  func.func @transform_1(%arg0: i32) -> (i32, i32) {
    %c0_i32 = arith.constant 0 : i32
    %c0_i32_0 = arith.constant 0 : i32
    %c0_i32_1 = arith.constant 0 : i32
    return %c0_i32, %c0_i32_0 : i32, i32
  }
  func.func @transform_2(%arg0: i32) -> (i32, i32) {
    %c0_i32 = arith.constant 0 : i32
    %c0_i32_0 = arith.constant 0 : i32
    return %arg0, %c0_i32 : i32, i32
  }
}

module attributes {stable_mosaic.version = 14 : i64} {
  func.func @_stats_body(%arg0: i32, %arg1: memref<200x288xf32, #tpu.memory_space<vmem>>, %arg2: memref<6400x128xf32, #tpu.memory_space<vmem>>, %arg3: memref<200x32x16xf32, #tpu.memory_space<vmem>>, %arg4: memref<128x288xf32, #tpu.memory_space<vmem>>, %arg5: memref<16x288xf32, #tpu.memory_space<vmem>>, %arg6: memref<1x288xf32, #tpu.memory_space<vmem>>, %arg7: memref<1x288xf32, #tpu.memory_space<vmem>>) attributes {dimension_semantics = [#tpu.dimension_semantics<arbitrary>], iteration_bounds = array<i64: 50>, scalar_prefetch = 0 : i64, scratch_operands = 0 : i64, tpu.core_type = #tpu.core_type<tc>, window_params = [{transform_indices = @transform_0, window_bounds = array<i64: 200, 288>}, {transform_indices = @transform_1, window_bounds = array<i64: 6400, 128>}, {transform_indices = @transform_2, window_bounds = array<i64: 200, 32, 16>}, {pipeline_mode = #tpu.pipeline_mode<synchronous>, transform_indices = @transform_3, window_bounds = array<i64: 128, 288>}, {pipeline_mode = #tpu.pipeline_mode<synchronous>, transform_indices = @transform_4, window_bounds = array<i64: 16, 288>}, {pipeline_mode = #tpu.pipeline_mode<synchronous>, transform_indices = @transform_5, window_bounds = array<i64: 1, 288>}, {pipeline_mode = #tpu.pipeline_mode<synchronous>, transform_indices = @transform_6, window_bounds = array<i64: 1, 288>}]} {
    %get3A = arith.constant 0 : index
    %get3A_0 = arith.constant 0 : index
    %get3A_1 = vector.load %arg2[%get3A, %get3A_0] : memref<6400x128xf32, #tpu.memory_space<vmem>>, vector<6400x128xf32>
    %get3A_2 = arith.constant 0 : index
    %get3A_3 = arith.constant 0 : index
    %get3A_4 = vector.load %arg4[%get3A_2, %get3A_3] : memref<128x288xf32, #tpu.memory_space<vmem>>, vector<128x288xf32>
    %dot_general3A = arith.constant dense<0.000000e+00> : vector<6400x288xf32>
    %dot_general3A_5 = tpu.matmul %get3A_1, %get3A_4, %dot_general3A {dimension_numbers = #tpu.dot_dimension_numbers<[1], [0], [0], [1], [0, 0, 1, 1], [], []>, transpose_lhs_hint = false} : vector<6400x128xf32>, vector<128x288xf32>, vector<6400x288xf32> -> vector<6400x288xf32>
    %get3A_6 = arith.constant 0 : index
    %get3A_7 = arith.constant 0 : index
    %get3A_8 = arith.constant 0 : index
    %get3A_9 = vector.load %arg3[%get3A_6, %get3A_7, %get3A_8] : memref<200x32x16xf32, #tpu.memory_space<vmem>>, vector<200x32x16xf32>
    %reshape3A = vector.shape_cast %get3A_9 : vector<200x32x16xf32> to vector<6400x16xf32>
    %get3A_10 = arith.constant 0 : index
    %get3A_11 = arith.constant 0 : index
    %get3A_12 = vector.load %arg5[%get3A_10, %get3A_11] : memref<16x288xf32, #tpu.memory_space<vmem>>, vector<16x288xf32>
    %dot_general3A_13 = arith.constant dense<0.000000e+00> : vector<6400x288xf32>
    %dot_general3A_14 = tpu.matmul %reshape3A, %get3A_12, %dot_general3A_13 {dimension_numbers = #tpu.dot_dimension_numbers<[1], [0], [0], [1], [0, 0, 1, 1], [], []>, transpose_lhs_hint = false} : vector<6400x16xf32>, vector<16x288xf32>, vector<6400x288xf32> -> vector<6400x288xf32>
    %get3A_15 = arith.constant 0 : index
    %get3A_16 = arith.constant 0 : index
    %get3A_17 = vector.load %arg1[%get3A_15, %get3A_16] : memref<200x288xf32, #tpu.memory_space<vmem>>, vector<200x288xf32>
    %broadcast_in_dim3A = vector.shape_cast %get3A_17 : vector<200x288xf32> to vector<200x1x288xf32>
    %broadcast_in_dim3A_18 = vector.shape_cast %broadcast_in_dim3A : vector<200x1x288xf32> to vector<200x1x288xf32>
    %broadcast_in_dim3A_19 = vector.broadcast %broadcast_in_dim3A_18 : vector<200x1x288xf32> to vector<200x32x288xf32>
    %reshape3A_20 = vector.shape_cast %broadcast_in_dim3A_19 : vector<200x32x288xf32> to vector<6400x288xf32>
    %add3A = arith.addf %reshape3A_20, %dot_general3A_5 : vector<6400x288xf32>
    %add3A_21 = arith.addf %add3A, %dot_general3A_14 : vector<6400x288xf32>
    %eq3A = arith.constant 0 : i32
    %eq3A_22 = arith.cmpi eq, %arg0, %eq3A : i32
    %convert_element_type3A = arith.extui %eq3A_22 : i1 to i32
    %cond3A = arith.constant 0 : i32
    %cond3A_23 = arith.cmpi ne, %convert_element_type3A, %cond3A : i32
    scf.if %cond3A_23 {
      %broadcast_in_dim3A_42 = arith.constant 0.000000e+00 : f32
      %broadcast_in_dim3A_43 = vector.broadcast %broadcast_in_dim3A_42 : f32 to vector<1x288xf32>
      %swap3A_44 = arith.constant 0 : index
      %swap3A_45 = arith.constant 0 : index
      %swap3A_46 = vector.load %arg6[%swap3A_44, %swap3A_45] : memref<1x288xf32, #tpu.memory_space<vmem>>, vector<1x288xf32>
      tpu.vector_store %arg6[%swap3A_44, %swap3A_45], %broadcast_in_dim3A_43 {strides = array<i32>} : memref<1x288xf32, #tpu.memory_space<vmem>>, vector<1x288xf32>,
      %broadcast_in_dim3A_47 = arith.constant 0.000000e+00 : f32
      %broadcast_in_dim3A_48 = vector.broadcast %broadcast_in_dim3A_47 : f32 to vector<1x288xf32>
      %swap3A_49 = arith.constant 0 : index
      %swap3A_50 = arith.constant 0 : index
      %swap3A_51 = vector.load %arg7[%swap3A_49, %swap3A_50] : memref<1x288xf32, #tpu.memory_space<vmem>>, vector<1x288xf32>
      tpu.vector_store %arg7[%swap3A_49, %swap3A_50], %broadcast_in_dim3A_48 {strides = array<i32>} : memref<1x288xf32, #tpu.memory_space<vmem>>, vector<1x288xf32>,
    } else {
    }
    %get3A_24 = arith.constant 0 : index
    %get3A_25 = arith.constant 0 : index
    %get3A_26 = vector.load %arg6[%get3A_24, %get3A_25] : memref<1x288xf32, #tpu.memory_space<vmem>>, vector<1x288xf32>
    %reduce_sum3A = arith.constant dense<0.000000e+00> : vector<288xf32>
    %reduce_sum3A_27 = vector.multi_reduction <add>, %add3A_21, %reduce_sum3A [0] : vector<6400x288xf32> to vector<288xf32>
    %broadcast_in_dim3A_28 = vector.shape_cast %reduce_sum3A_27 : vector<288xf32> to vector<1x288xf32>
    %add3A_29 = arith.addf %get3A_26, %broadcast_in_dim3A_28 : vector<1x288xf32>
    %swap3A = arith.constant 0 : index
    %swap3A_30 = arith.constant 0 : index
    %swap3A_31 = vector.load %arg6[%swap3A, %swap3A_30] : memref<1x288xf32, #tpu.memory_space<vmem>>, vector<1x288xf32>
    tpu.vector_store %arg6[%swap3A, %swap3A_30], %add3A_29 {strides = array<i32>} : memref<1x288xf32, #tpu.memory_space<vmem>>, vector<1x288xf32>,
    %get3A_32 = arith.constant 0 : index
    %get3A_33 = arith.constant 0 : index
    %get3A_34 = vector.load %arg7[%get3A_32, %get3A_33] : memref<1x288xf32, #tpu.memory_space<vmem>>, vector<1x288xf32>
    %mul3A = arith.mulf %add3A_21, %add3A_21 : vector<6400x288xf32>
    %reduce_sum3A_35 = arith.constant dense<0.000000e+00> : vector<288xf32>
    %reduce_sum3A_36 = vector.multi_reduction <add>, %mul3A, %reduce_sum3A_35 [0] : vector<6400x288xf32> to vector<288xf32>
    %broadcast_in_dim3A_37 = vector.shape_cast %reduce_sum3A_36 : vector<288xf32> to vector<1x288xf32>
    %add3A_38 = arith.addf %get3A_34, %broadcast_in_dim3A_37 : vector<1x288xf32>
    %swap3A_39 = arith.constant 0 : index
    %swap3A_40 = arith.constant 0 : index
    %swap3A_41 = vector.load %arg7[%swap3A_39, %swap3A_40] : memref<1x288xf32, #tpu.memory_space<vmem>>, vector<1x288xf32>
    tpu.vector_store %arg7[%swap3A_39, %swap3A_40], %add3A_38 {strides = array<i32>} : memref<1x288xf32, #tpu.memory_space<vmem>>, vector<1x288xf32>,
    return
  }
  func.func @transform_0(%arg0: i32) -> (i32, i32) {
    %c0_i32 = arith.constant 0 : i32
    %c0_i32_0 = arith.constant 0 : i32
    return %arg0, %c0_i32 : i32, i32
  }
  func.func @transform_1(%arg0: i32) -> (i32, i32) {
    %c0_i32 = arith.constant 0 : i32
    %c0_i32_0 = arith.constant 0 : i32
    return %arg0, %c0_i32 : i32, i32
  }
  func.func @transform_2(%arg0: i32) -> (i32, i32, i32) {
    %c0_i32 = arith.constant 0 : i32
    %c0_i32_0 = arith.constant 0 : i32
    %c0_i32_1 = arith.constant 0 : i32
    return %arg0, %c0_i32, %c0_i32_0 : i32, i32, i32
  }
  func.func @transform_3(%arg0: i32) -> (i32, i32) {
    %c0_i32 = arith.constant 0 : i32
    %c0_i32_0 = arith.constant 0 : i32
    %c0_i32_1 = arith.constant 0 : i32
    return %c0_i32, %c0_i32_0 : i32, i32
  }
  func.func @transform_4(%arg0: i32) -> (i32, i32) {
    %c0_i32 = arith.constant 0 : i32
    %c0_i32_0 = arith.constant 0 : i32
    %c0_i32_1 = arith.constant 0 : i32
    return %c0_i32, %c0_i32_0 : i32, i32
  }
  func.func @transform_5(%arg0: i32) -> (i32, i32) {
    %c0_i32 = arith.constant 0 : i32
    %c0_i32_0 = arith.constant 0 : i32
    %c0_i32_1 = arith.constant 0 : i32
    return %c0_i32, %c0_i32_0 : i32, i32
  }
  func.func @transform_6(%arg0: i32) -> (i32, i32) {
    %c0_i32 = arith.constant 0 : i32
    %c0_i32_0 = arith.constant 0 : i32
    %c0_i32_1 = arith.constant 0 : i32
    return %c0_i32, %c0_i32_0 : i32, i32
  }
}

module attributes {stable_mosaic.version = 14 : i64} {
  func.func @_apply_body(%arg0: i32, %arg1: memref<200x288xf32, #tpu.memory_space<vmem>>, %arg2: memref<6400x128xf32, #tpu.memory_space<vmem>>, %arg3: memref<200x32x16xf32, #tpu.memory_space<vmem>>, %arg4: memref<128x288xf32, #tpu.memory_space<vmem>>, %arg5: memref<16x288xf32, #tpu.memory_space<vmem>>, %arg6: memref<1x288xf32, #tpu.memory_space<vmem>>, %arg7: memref<1x288xf32, #tpu.memory_space<vmem>>, %arg8: memref<200x128xf32, #tpu.memory_space<vmem>>, %arg9: memref<200x32x16xf32, #tpu.memory_space<vmem>>, %arg10: memref<1x128xf32, #tpu.memory_space<vmem>>, %arg11: memref<1x128xf32, #tpu.memory_space<vmem>>) attributes {dimension_semantics = [#tpu.dimension_semantics<arbitrary>], iteration_bounds = array<i64: 50>, scalar_prefetch = 0 : i64, scratch_operands = 0 : i64, tpu.core_type = #tpu.core_type<tc>, window_params = [{transform_indices = @transform_0, window_bounds = array<i64: 200, 288>}, {transform_indices = @transform_1, window_bounds = array<i64: 6400, 128>}, {transform_indices = @transform_2, window_bounds = array<i64: 200, 32, 16>}, {pipeline_mode = #tpu.pipeline_mode<synchronous>, transform_indices = @transform_3, window_bounds = array<i64: 128, 288>}, {pipeline_mode = #tpu.pipeline_mode<synchronous>, transform_indices = @transform_4, window_bounds = array<i64: 16, 288>}, {pipeline_mode = #tpu.pipeline_mode<synchronous>, transform_indices = @transform_5, window_bounds = array<i64: 1, 288>}, {pipeline_mode = #tpu.pipeline_mode<synchronous>, transform_indices = @transform_6, window_bounds = array<i64: 1, 288>}, {transform_indices = @transform_7, window_bounds = array<i64: 200, 128>}, {transform_indices = @transform_8, window_bounds = array<i64: 200, 32, 16>}, {pipeline_mode = #tpu.pipeline_mode<synchronous>, transform_indices = @transform_9, window_bounds = array<i64: 1, 128>}, {pipeline_mode = #tpu.pipeline_mode<synchronous>, transform_indices = @transform_10, window_bounds = array<i64: 1, 128>}]} {
    %get3A = arith.constant 0 : index
    %get3A_0 = arith.constant 0 : index
    %get3A_1 = vector.load %arg2[%get3A, %get3A_0] : memref<6400x128xf32, #tpu.memory_space<vmem>>, vector<6400x128xf32>
    %get3A_2 = arith.constant 0 : index
    %get3A_3 = arith.constant 0 : index
    %get3A_4 = vector.load %arg4[%get3A_2, %get3A_3] : memref<128x288xf32, #tpu.memory_space<vmem>>, vector<128x288xf32>
    %dot_general3A = arith.constant dense<0.000000e+00> : vector<6400x288xf32>
    %dot_general3A_5 = tpu.matmul %get3A_1, %get3A_4, %dot_general3A {dimension_numbers = #tpu.dot_dimension_numbers<[1], [0], [0], [1], [0, 0, 1, 1], [], []>, transpose_lhs_hint = false} : vector<6400x128xf32>, vector<128x288xf32>, vector<6400x288xf32> -> vector<6400x288xf32>
    %get3A_6 = arith.constant 0 : index
    %get3A_7 = arith.constant 0 : index
    %get3A_8 = arith.constant 0 : index
    %get3A_9 = vector.load %arg3[%get3A_6, %get3A_7, %get3A_8] : memref<200x32x16xf32, #tpu.memory_space<vmem>>, vector<200x32x16xf32>
    %reshape3A = vector.shape_cast %get3A_9 : vector<200x32x16xf32> to vector<6400x16xf32>
    %get3A_10 = arith.constant 0 : index
    %get3A_11 = arith.constant 0 : index
    %get3A_12 = vector.load %arg5[%get3A_10, %get3A_11] : memref<16x288xf32, #tpu.memory_space<vmem>>, vector<16x288xf32>
    %dot_general3A_13 = arith.constant dense<0.000000e+00> : vector<6400x288xf32>
    %dot_general3A_14 = tpu.matmul %reshape3A, %get3A_12, %dot_general3A_13 {dimension_numbers = #tpu.dot_dimension_numbers<[1], [0], [0], [1], [0, 0, 1, 1], [], []>, transpose_lhs_hint = false} : vector<6400x16xf32>, vector<16x288xf32>, vector<6400x288xf32> -> vector<6400x288xf32>
    %get3A_15 = arith.constant 0 : index
    %get3A_16 = arith.constant 0 : index
    %get3A_17 = vector.load %arg1[%get3A_15, %get3A_16] : memref<200x288xf32, #tpu.memory_space<vmem>>, vector<200x288xf32>
    %broadcast_in_dim3A = vector.shape_cast %get3A_17 : vector<200x288xf32> to vector<200x1x288xf32>
    %broadcast_in_dim3A_18 = vector.shape_cast %broadcast_in_dim3A : vector<200x1x288xf32> to vector<200x1x288xf32>
    %broadcast_in_dim3A_19 = vector.broadcast %broadcast_in_dim3A_18 : vector<200x1x288xf32> to vector<200x32x288xf32>
    %reshape3A_20 = vector.shape_cast %broadcast_in_dim3A_19 : vector<200x32x288xf32> to vector<6400x288xf32>
    %add3A = arith.addf %reshape3A_20, %dot_general3A_5 : vector<6400x288xf32>
    %add3A_21 = arith.addf %add3A, %dot_general3A_14 : vector<6400x288xf32>
    %get3A_22 = arith.constant 0 : index
    %get3A_23 = arith.constant 0 : index
    %get3A_24 = vector.load %arg6[%get3A_22, %get3A_23] : memref<1x288xf32, #tpu.memory_space<vmem>>, vector<1x288xf32>
    %mul3A = vector.broadcast %get3A_24 : vector<1x288xf32> to vector<6400x288xf32>
    %mul3A_25 = arith.mulf %add3A_21, %mul3A : vector<6400x288xf32>
    %get3A_26 = arith.constant 0 : index
    %get3A_27 = arith.constant 0 : index
    %get3A_28 = vector.load %arg7[%get3A_26, %get3A_27] : memref<1x288xf32, #tpu.memory_space<vmem>>, vector<1x288xf32>
    %add3A_29 = vector.broadcast %get3A_28 : vector<1x288xf32> to vector<6400x288xf32>
    %add3A_30 = arith.addf %mul3A_25, %add3A_29 : vector<6400x288xf32>
    %slice3A = vector.extract_strided_slice %add3A_30 {offsets = [0, 0], sizes = [6400, 128], strides = [1, 1]} : vector<6400x288xf32> to vector<6400x128xf32>
    %logistic3A = arith.negf %slice3A : vector<6400x128xf32>
    %logistic3A_31 = math.exp %logistic3A : vector<6400x128xf32>
    %logistic3A_32 = arith.constant 1.000000e+00 : f32
    %logistic3A_33 = vector.broadcast %logistic3A_32 : f32 to vector<6400x128xf32>
    %logistic3A_34 = arith.addf %logistic3A_33, %logistic3A_31 : vector<6400x128xf32>
    %logistic3A_35 = arith.divf %logistic3A_33, %logistic3A_34 : vector<6400x128xf32>
    %slice3A_36 = vector.extract_strided_slice %add3A_30 {offsets = [0, 128], sizes = [6400, 128], strides = [1, 1]} : vector<6400x288xf32> to vector<6400x128xf32>
    %custom_jvp_call3A = arith.constant 0.000000e+00 : f32
    %max3A = vector.broadcast %custom_jvp_call3A : f32 to vector<6400x128xf32>
    %max3A_37 = arith.maximumf %max3A, %slice3A_36 : vector<6400x128xf32>
    %sub3A = vector.broadcast %custom_jvp_call3A : f32 to vector<6400x128xf32>
    %sub3A_38 = arith.subf %sub3A, %slice3A_36 : vector<6400x128xf32>
    %ne3A = arith.cmpf one, %sub3A_38, %sub3A_38 : vector<6400x128xf32>
    %add3A_39 = vector.broadcast %custom_jvp_call3A : f32 to vector<6400x128xf32>
    %add3A_40 = arith.addf %add3A_39, %slice3A_36 : vector<6400x128xf32>
    %abs3A = math.absf %sub3A_38 : vector<6400x128xf32>
    %neg3A = arith.constant 0.000000e+00 : f32
    %neg3A_41 = vector.broadcast %neg3A : f32 to vector<6400x128xf32>
    %neg3A_42 = arith.subf %neg3A_41, %abs3A : vector<6400x128xf32>
    %exp3A = math.exp %neg3A_42 : vector<6400x128xf32>
    %log1p3A = math.log1p %exp3A : vector<6400x128xf32>
    %add3A_43 = arith.addf %max3A_37, %log1p3A : vector<6400x128xf32>
    %select_n3A = arith.select %ne3A, %add3A_40, %add3A_43 : vector<6400x128xi1>, vector<6400x128xf32>
    %mul3A_44 = arith.mulf %logistic3A_35, %select_n3A : vector<6400x128xf32>
    %reshape3A_45 = vector.shape_cast %mul3A_44 : vector<6400x128xf32> to vector<200x32x128xf32>
    %reduce_sum3A = arith.constant dense<0.000000e+00> : vector<200x128xf32>
    %reduce_sum3A_46 = vector.multi_reduction <add>, %reshape3A_45, %reduce_sum3A [1] : vector<200x32x128xf32> to vector<200x128xf32>
    %swap3A = arith.constant 0 : index
    %swap3A_47 = arith.constant 0 : index
    %swap3A_48 = vector.load %arg8[%swap3A, %swap3A_47] : memref<200x128xf32, #tpu.memory_space<vmem>>, vector<200x128xf32>
    tpu.vector_store %arg8[%swap3A, %swap3A_47], %reduce_sum3A_46 {strides = array<i32>} : memref<200x128xf32, #tpu.memory_space<vmem>>, vector<200x128xf32>,
    %eq3A = arith.constant 0 : i32
    %eq3A_49 = arith.cmpi eq, %arg0, %eq3A : i32
    %convert_element_type3A = arith.extui %eq3A_49 : i1 to i32
    %cond3A = arith.constant 0 : i32
    %cond3A_50 = arith.cmpi ne, %convert_element_type3A, %cond3A : i32
    scf.if %cond3A_50 {
      %broadcast_in_dim3A_127 = arith.constant 0.000000e+00 : f32
      %broadcast_in_dim3A_128 = vector.broadcast %broadcast_in_dim3A_127 : f32 to vector<1x128xf32>
      %swap3A_129 = arith.constant 0 : index
      %swap3A_130 = arith.constant 0 : index
      %swap3A_131 = vector.load %arg10[%swap3A_129, %swap3A_130] : memref<1x128xf32, #tpu.memory_space<vmem>>, vector<1x128xf32>
      tpu.vector_store %arg10[%swap3A_129, %swap3A_130], %broadcast_in_dim3A_128 {strides = array<i32>} : memref<1x128xf32, #tpu.memory_space<vmem>>, vector<1x128xf32>,
      %broadcast_in_dim3A_132 = arith.constant 0.000000e+00 : f32
      %broadcast_in_dim3A_133 = vector.broadcast %broadcast_in_dim3A_132 : f32 to vector<1x128xf32>
      %swap3A_134 = arith.constant 0 : index
      %swap3A_135 = arith.constant 0 : index
      %swap3A_136 = vector.load %arg11[%swap3A_134, %swap3A_135] : memref<1x128xf32, #tpu.memory_space<vmem>>, vector<1x128xf32>
      tpu.vector_store %arg11[%swap3A_134, %swap3A_135], %broadcast_in_dim3A_133 {strides = array<i32>} : memref<1x128xf32, #tpu.memory_space<vmem>>, vector<1x128xf32>,
    } else {
    }
    %get3A_51 = arith.constant 0 : index
    %get3A_52 = arith.constant 0 : index
    %get3A_53 = vector.load %arg10[%get3A_51, %get3A_52] : memref<1x128xf32, #tpu.memory_space<vmem>>, vector<1x128xf32>
    %reduce_sum3A_54 = arith.constant dense<0.000000e+00> : vector<128xf32>
    %reduce_sum3A_55 = vector.multi_reduction <add>, %reduce_sum3A_46, %reduce_sum3A_54 [0] : vector<200x128xf32> to vector<128xf32>
    %broadcast_in_dim3A_56 = vector.shape_cast %reduce_sum3A_55 : vector<128xf32> to vector<1x128xf32>
    %add3A_57 = arith.addf %get3A_53, %broadcast_in_dim3A_56 : vector<1x128xf32>
    %swap3A_58 = arith.constant 0 : index
    %swap3A_59 = arith.constant 0 : index
    %swap3A_60 = vector.load %arg10[%swap3A_58, %swap3A_59] : memref<1x128xf32, #tpu.memory_space<vmem>>, vector<1x128xf32>
    tpu.vector_store %arg10[%swap3A_58, %swap3A_59], %add3A_57 {strides = array<i32>} : memref<1x128xf32, #tpu.memory_space<vmem>>, vector<1x128xf32>,
    %get3A_61 = arith.constant 0 : index
    %get3A_62 = arith.constant 0 : index
    %get3A_63 = vector.load %arg11[%get3A_61, %get3A_62] : memref<1x128xf32, #tpu.memory_space<vmem>>, vector<1x128xf32>
    %mul3A_64 = arith.mulf %reduce_sum3A_46, %reduce_sum3A_46 : vector<200x128xf32>
    %reduce_sum3A_65 = arith.constant dense<0.000000e+00> : vector<128xf32>
    %reduce_sum3A_66 = vector.multi_reduction <add>, %mul3A_64, %reduce_sum3A_65 [0] : vector<200x128xf32> to vector<128xf32>
    %broadcast_in_dim3A_67 = vector.shape_cast %reduce_sum3A_66 : vector<128xf32> to vector<1x128xf32>
    %add3A_68 = arith.addf %get3A_63, %broadcast_in_dim3A_67 : vector<1x128xf32>
    %swap3A_69 = arith.constant 0 : index
    %swap3A_70 = arith.constant 0 : index
    %swap3A_71 = vector.load %arg11[%swap3A_69, %swap3A_70] : memref<1x128xf32, #tpu.memory_space<vmem>>, vector<1x128xf32>
    tpu.vector_store %arg11[%swap3A_69, %swap3A_70], %add3A_68 {strides = array<i32>} : memref<1x128xf32, #tpu.memory_space<vmem>>, vector<1x128xf32>,
    %slice3A_72 = vector.extract_strided_slice %add3A_30 {offsets = [0, 256], sizes = [6400, 32], strides = [1, 1]} : vector<6400x288xf32> to vector<6400x32xf32>
    %transpose3A = tpu.transpose %slice3A_72, [1, 0] : vector<6400x32xf32> -> vector<32x6400xf32>
    %slice3A_73 = vector.extract_strided_slice %transpose3A {offsets = [0, 0], sizes = [16, 6400], strides = [1, 1]} : vector<32x6400xf32> to vector<16x6400xf32>
    %logistic3A_74 = arith.negf %slice3A_73 : vector<16x6400xf32>
    %logistic3A_75 = math.exp %logistic3A_74 : vector<16x6400xf32>
    %logistic3A_76 = arith.constant 1.000000e+00 : f32
    %logistic3A_77 = vector.broadcast %logistic3A_76 : f32 to vector<16x6400xf32>
    %logistic3A_78 = arith.addf %logistic3A_77, %logistic3A_75 : vector<16x6400xf32>
    %logistic3A_79 = arith.divf %logistic3A_77, %logistic3A_78 : vector<16x6400xf32>
    %slice3A_80 = vector.extract_strided_slice %transpose3A {offsets = [16, 0], sizes = [16, 6400], strides = [1, 1]} : vector<32x6400xf32> to vector<16x6400xf32>
    %custom_jvp_call3A_81 = arith.constant 0.000000e+00 : f32
    %max3A_82 = vector.broadcast %custom_jvp_call3A_81 : f32 to vector<16x6400xf32>
    %max3A_83 = arith.maximumf %max3A_82, %slice3A_80 : vector<16x6400xf32>
    %sub3A_84 = vector.broadcast %custom_jvp_call3A_81 : f32 to vector<16x6400xf32>
    %sub3A_85 = arith.subf %sub3A_84, %slice3A_80 : vector<16x6400xf32>
    %ne3A_86 = arith.cmpf one, %sub3A_85, %sub3A_85 : vector<16x6400xf32>
    %add3A_87 = vector.broadcast %custom_jvp_call3A_81 : f32 to vector<16x6400xf32>
    %add3A_88 = arith.addf %add3A_87, %slice3A_80 : vector<16x6400xf32>
    %abs3A_89 = math.absf %sub3A_85 : vector<16x6400xf32>
    %neg3A_90 = arith.constant 0.000000e+00 : f32
    %neg3A_91 = vector.broadcast %neg3A_90 : f32 to vector<16x6400xf32>
    %neg3A_92 = arith.subf %neg3A_91, %abs3A_89 : vector<16x6400xf32>
    %exp3A_93 = math.exp %neg3A_92 : vector<16x6400xf32>
    %log1p3A_94 = math.log1p %exp3A_93 : vector<16x6400xf32>
    %add3A_95 = arith.addf %max3A_83, %log1p3A_94 : vector<16x6400xf32>
    %select_n3A_96 = arith.select %ne3A_86, %add3A_88, %add3A_95 : vector<16x6400xi1>, vector<16x6400xf32>
    %mul3A_97 = arith.mulf %logistic3A_79, %select_n3A_96 : vector<16x6400xf32>
    %get3A_98 = arith.constant 0 : index
    %get3A_99 = arith.constant 0 : index
    %get3A_100 = arith.constant 0 : index
    %get3A_101 = vector.load %arg3[%get3A_98, %get3A_99, %get3A_100] : memref<200x32x16xf32, #tpu.memory_space<vmem>>, vector<200x32x16xf32>
    %reshape3A_102 = vector.shape_cast %get3A_101 : vector<200x32x16xf32> to vector<6400x16xf32>
    %transpose3A_103 = tpu.transpose %reshape3A_102, [1, 0] : vector<6400x16xf32> -> vector<16x6400xf32>
    %add3A_104 = arith.addf %transpose3A_103, %mul3A_97 : vector<16x6400xf32>
    %custom_jvp_call3A_105 = arith.constant 0.000000e+00 : f32
    %max3A_106 = vector.broadcast %custom_jvp_call3A_105 : f32 to vector<16x6400xf32>
    %max3A_107 = arith.maximumf %max3A_106, %add3A_104 : vector<16x6400xf32>
    %sub3A_108 = vector.broadcast %custom_jvp_call3A_105 : f32 to vector<16x6400xf32>
    %sub3A_109 = arith.subf %sub3A_108, %add3A_104 : vector<16x6400xf32>
    %ne3A_110 = arith.cmpf one, %sub3A_109, %sub3A_109 : vector<16x6400xf32>
    %add3A_111 = vector.broadcast %custom_jvp_call3A_105 : f32 to vector<16x6400xf32>
    %add3A_112 = arith.addf %add3A_111, %add3A_104 : vector<16x6400xf32>
    %abs3A_113 = math.absf %sub3A_109 : vector<16x6400xf32>
    %neg3A_114 = arith.constant 0.000000e+00 : f32
    %neg3A_115 = vector.broadcast %neg3A_114 : f32 to vector<16x6400xf32>
    %neg3A_116 = arith.subf %neg3A_115, %abs3A_113 : vector<16x6400xf32>
    %exp3A_117 = math.exp %neg3A_116 : vector<16x6400xf32>
    %log1p3A_118 = math.log1p %exp3A_117 : vector<16x6400xf32>
    %add3A_119 = arith.addf %max3A_107, %log1p3A_118 : vector<16x6400xf32>
    %select_n3A_120 = arith.select %ne3A_110, %add3A_112, %add3A_119 : vector<16x6400xi1>, vector<16x6400xf32>
    %transpose3A_121 = tpu.transpose %select_n3A_120, [1, 0] : vector<16x6400xf32> -> vector<6400x16xf32>
    %reshape3A_122 = vector.shape_cast %transpose3A_121 : vector<6400x16xf32> to vector<200x32x16xf32>
    %swap3A_123 = arith.constant 0 : index
    %swap3A_124 = arith.constant 0 : index
    %swap3A_125 = arith.constant 0 : index
    %swap3A_126 = vector.load %arg9[%swap3A_123, %swap3A_124, %swap3A_125] : memref<200x32x16xf32, #tpu.memory_space<vmem>>, vector<200x32x16xf32>
    tpu.vector_store %arg9[%swap3A_123, %swap3A_124, %swap3A_125], %reshape3A_122 {strides = array<i32>} : memref<200x32x16xf32, #tpu.memory_space<vmem>>, vector<200x32x16xf32>,
    return
  }
  func.func @transform_0(%arg0: i32) -> (i32, i32) {
    %c0_i32 = arith.constant 0 : i32
    %c0_i32_0 = arith.constant 0 : i32
    return %arg0, %c0_i32 : i32, i32
  }
  func.func @transform_1(%arg0: i32) -> (i32, i32) {
    %c0_i32 = arith.constant 0 : i32
    %c0_i32_0 = arith.constant 0 : i32
    return %arg0, %c0_i32 : i32, i32
  }
  func.func @transform_2(%arg0: i32) -> (i32, i32, i32) {
    %c0_i32 = arith.constant 0 : i32
    %c0_i32_0 = arith.constant 0 : i32
    %c0_i32_1 = arith.constant 0 : i32
    return %arg0, %c0_i32, %c0_i32_0 : i32, i32, i32
  }
  func.func @transform_3(%arg0: i32) -> (i32, i32) {
    %c0_i32 = arith.constant 0 : i32
    %c0_i32_0 = arith.constant 0 : i32
    %c0_i32_1 = arith.constant 0 : i32
    return %c0_i32, %c0_i32_0 : i32, i32
  }
  func.func @transform_4(%arg0: i32) -> (i32, i32) {
    %c0_i32 = arith.constant 0 : i32
    %c0_i32_0 = arith.constant 0 : i32
    %c0_i32_1 = arith.constant 0 : i32
    return %c0_i32, %c0_i32_0 : i32, i32
  }
  func.func @transform_5(%arg0: i32) -> (i32, i32) {
    %c0_i32 = arith.constant 0 : i32
    %c0_i32_0 = arith.constant 0 : i32
    %c0_i32_1 = arith.constant 0 : i32
    return %c0_i32, %c0_i32_0 : i32, i32
  }
  func.func @transform_6(%arg0: i32) -> (i32, i32) {
    %c0_i32 = arith.constant 0 : i32
    %c0_i32_0 = arith.constant 0 : i32
    %c0_i32_1 = arith.constant 0 : i32
    return %c0_i32, %c0_i32_0 : i32, i32
  }
  func.func @transform_7(%arg0: i32) -> (i32, i32) {
    %c0_i32 = arith.constant 0 : i32
    %c0_i32_0 = arith.constant 0 : i32
    return %arg0, %c0_i32 : i32, i32
  }
  func.func @transform_8(%arg0: i32) -> (i32, i32, i32) {
    %c0_i32 = arith.constant 0 : i32
    %c0_i32_0 = arith.constant 0 : i32
    %c0_i32_1 = arith.constant 0 : i32
    return %arg0, %c0_i32, %c0_i32_0 : i32, i32, i32
  }
  func.func @transform_9(%arg0: i32) -> (i32, i32) {
    %c0_i32 = arith.constant 0 : i32
    %c0_i32_0 = arith.constant 0 : i32
    %c0_i32_1 = arith.constant 0 : i32
    return %c0_i32, %c0_i32_0 : i32, i32
  }
  func.func @transform_10(%arg0: i32) -> (i32, i32) {
    %c0_i32 = arith.constant 0 : i32
    %c0_i32_0 = arith.constant 0 : i32
    %c0_i32_1 = arith.constant 0 : i32
    return %c0_i32, %c0_i32_0 : i32, i32
  }
}

module attributes {stable_mosaic.version = 14 : i64} {
  func.func @_out1_body(%arg0: i32, %arg1: memref<2000x128xf32, #tpu.memory_space<vmem>>, %arg2: memref<2000x128xf32, #tpu.memory_space<vmem>>, %arg3: memref<1x128xf32, #tpu.memory_space<vmem>>, %arg4: memref<1x128xf32, #tpu.memory_space<vmem>>, %arg5: memref<2000x128xf32, #tpu.memory_space<vmem>>) attributes {dimension_semantics = [#tpu.dimension_semantics<arbitrary>], iteration_bounds = array<i64: 5>, scalar_prefetch = 0 : i64, scratch_operands = 0 : i64, tpu.core_type = #tpu.core_type<tc>, window_params = [{transform_indices = @transform_0, window_bounds = array<i64: 2000, 128>}, {transform_indices = @transform_1, window_bounds = array<i64: 2000, 128>}, {pipeline_mode = #tpu.pipeline_mode<synchronous>, transform_indices = @transform_2, window_bounds = array<i64: 1, 128>}, {pipeline_mode = #tpu.pipeline_mode<synchronous>, transform_indices = @transform_3, window_bounds = array<i64: 1, 128>}, {transform_indices = @transform_4, window_bounds = array<i64: 2000, 128>}]} {
    %get3A = arith.constant 0 : index
    %get3A_0 = arith.constant 0 : index
    %get3A_1 = vector.load %arg1[%get3A, %get3A_0] : memref<2000x128xf32, #tpu.memory_space<vmem>>, vector<2000x128xf32>
    %get3A_2 = arith.constant 0 : index
    %get3A_3 = arith.constant 0 : index
    %get3A_4 = vector.load %arg2[%get3A_2, %get3A_3] : memref<2000x128xf32, #tpu.memory_space<vmem>>, vector<2000x128xf32>
    %get3A_5 = arith.constant 0 : index
    %get3A_6 = arith.constant 0 : index
    %get3A_7 = vector.load %arg3[%get3A_5, %get3A_6] : memref<1x128xf32, #tpu.memory_space<vmem>>, vector<1x128xf32>
    %mul3A = vector.broadcast %get3A_7 : vector<1x128xf32> to vector<2000x128xf32>
    %mul3A_8 = arith.mulf %get3A_4, %mul3A : vector<2000x128xf32>
    %add3A = arith.addf %get3A_1, %mul3A_8 : vector<2000x128xf32>
    %get3A_9 = arith.constant 0 : index
    %get3A_10 = arith.constant 0 : index
    %get3A_11 = vector.load %arg4[%get3A_9, %get3A_10] : memref<1x128xf32, #tpu.memory_space<vmem>>, vector<1x128xf32>
    %add3A_12 = vector.broadcast %get3A_11 : vector<1x128xf32> to vector<2000x128xf32>
    %add3A_13 = arith.addf %add3A, %add3A_12 : vector<2000x128xf32>
    %custom_jvp_call3A = arith.constant 0.000000e+00 : f32
    %max3A = vector.broadcast %custom_jvp_call3A : f32 to vector<2000x128xf32>
    %max3A_14 = arith.maximumf %max3A, %add3A_13 : vector<2000x128xf32>
    %sub3A = vector.broadcast %custom_jvp_call3A : f32 to vector<2000x128xf32>
    %sub3A_15 = arith.subf %sub3A, %add3A_13 : vector<2000x128xf32>
    %ne3A = arith.cmpf one, %sub3A_15, %sub3A_15 : vector<2000x128xf32>
    %add3A_16 = vector.broadcast %custom_jvp_call3A : f32 to vector<2000x128xf32>
    %add3A_17 = arith.addf %add3A_16, %add3A_13 : vector<2000x128xf32>
    %abs3A = math.absf %sub3A_15 : vector<2000x128xf32>
    %neg3A = arith.constant 0.000000e+00 : f32
    %neg3A_18 = vector.broadcast %neg3A : f32 to vector<2000x128xf32>
    %neg3A_19 = arith.subf %neg3A_18, %abs3A : vector<2000x128xf32>
    %exp3A = math.exp %neg3A_19 : vector<2000x128xf32>
    %log1p3A = math.log1p %exp3A : vector<2000x128xf32>
    %add3A_20 = arith.addf %max3A_14, %log1p3A : vector<2000x128xf32>
    %select_n3A = arith.select %ne3A, %add3A_17, %add3A_20 : vector<2000x128xi1>, vector<2000x128xf32>
    %swap3A = arith.constant 0 : index
    %swap3A_21 = arith.constant 0 : index
    %swap3A_22 = vector.load %arg5[%swap3A, %swap3A_21] : memref<2000x128xf32, #tpu.memory_space<vmem>>, vector<2000x128xf32>
    tpu.vector_store %arg5[%swap3A, %swap3A_21], %select_n3A {strides = array<i32>} : memref<2000x128xf32, #tpu.memory_space<vmem>>, vector<2000x128xf32>,
    return
  }
  func.func @transform_0(%arg0: i32) -> (i32, i32) {
    %c0_i32 = arith.constant 0 : i32
    %c0_i32_0 = arith.constant 0 : i32
    return %arg0, %c0_i32 : i32, i32
  }
  func.func @transform_1(%arg0: i32) -> (i32, i32) {
    %c0_i32 = arith.constant 0 : i32
    %c0_i32_0 = arith.constant 0 : i32
    return %arg0, %c0_i32 : i32, i32
  }
  func.func @transform_2(%arg0: i32) -> (i32, i32) {
    %c0_i32 = arith.constant 0 : i32
    %c0_i32_0 = arith.constant 0 : i32
    %c0_i32_1 = arith.constant 0 : i32
    return %c0_i32, %c0_i32_0 : i32, i32
  }
  func.func @transform_3(%arg0: i32) -> (i32, i32) {
    %c0_i32 = arith.constant 0 : i32
    %c0_i32_0 = arith.constant 0 : i32
    %c0_i32_1 = arith.constant 0 : i32
    return %c0_i32, %c0_i32_0 : i32, i32
  }
  func.func @transform_4(%arg0: i32) -> (i32, i32) {
    %c0_i32 = arith.constant 0 : i32
    %c0_i32_0 = arith.constant 0 : i32
    return %arg0, %c0_i32 : i32, i32
  }
}

</mosaic_0001>

<sc_bundles>
// kernel: kernel.7.cloned.1.call-start
scs
__scs_entry_jumppad:
0x0: {  	(pc) =	sbr.rel $0x88, $3  }
0x1: {  	(tag) =	ssettag $0x0;
	lr =	simm.s32 $0x1  }
0x2: {  	[smem:$0x3F96] =	sst lr;
	_ =	strace $0xD0000000  }
0x3: {  	_ = 	snop  }
0x4: {  	_ = 	snop  }
0x5: {  	_ = 	snop  }
0x6: {  	_ = 	snop  }
0x7: {  	_ = 	snop  }
__scs_overlays_trampoline_lowered:
0x8: {  	[smem:$0x3FA5] =	sst s0  }
0x9: {  	[smem:$0x3FA6] =	sst s1  }
0xa: {  	[smem:$0x3FA7] =	sst s2  }
0xb: {  	[smem:$0x3FA8] =	sst s3  }
0xc: {  	[smem:$0x3FA9] =	sst s4  }
0xd: {  	[smem:$0x3FAA] =	sst s5  }
0xe: {  	[smem:$0x3FAB] =	sst s6  }
0xf: {  	[smem:$0x3FAC] =	sst s7  }
0x10: {  	[smem:$0x3FAD] =	sst s8  }
0x11: {  	[smem:$0x3FAE] =	sst s9;
	s0 =	simm.s32 @!p0 $0x0  }
0x12: {  	s1 =	sld [smem:$0x3F94];
	s0 =	simm.s32 @p0 $0x1  }
0x13: {  	[smem:$0x3FAF] =	sst s0;
	s0 =	simm.s32 @!p1 $0x0  }
0x14: {  	s2 =	sld [smem:$0x3F93];
	s0 =	simm.s32 @p1 $0x1  }
0x15: {  	[smem:$0x3FB0] =	sst s0;
	s0 =	simm.s32 @!p2 $0x0  }
0x16: {  	s3 =	sld [smem:$0x3FDB];
	s0 =	simm.s32 @p2 $0x1  }
0x17: {  	s4 =	simm.s32 $0x1BF5;
	[smem:$0x3FB2] =	sst s0  }
0x18: {  	s0 =	sld [smem:$0x3F95];
	_ =	swait.ge [sflag:s4], $0x0  }
0x19: {  	s7 =	sld [smem:$0x3F96]  }
0x1a: {  	s8 =	sadd.s32 $0xFFFFE003, lr  }
0x1b: {  	s9 =	sadd.s32 $0xFFFFFEF7, lr;
	s5 =	simm.s32 $0xFFFFFFFF;
	p2 =	slt.u32 s8, $0xFFFFF086  }
0x1c: {  	p1 =	slt.u32 s9, $0xF7A;
	s5 =	simm.s32 @!p2 $0x0  }
0x1d: {  	s5 =	simm.s32 @p1 $0x1;
	p0 =	seq.s32 s7, s2  }
0x1e: {  	s7 =	smul.u32 @!p0 $0xF7A, s2;
	p2 =	seq.s32 @!p0 s5, $0x0  }
0x1f: {  	s9 =	smul.u32 $0xF7A, s1;
	s8 =	simm.s32 @!p0 $0x1BF5;
	p2 =	por !p2, p0  }
0x20: {  	[sflag:s8] =	ssyncset.s32 @!p0 $0xFFFFF086;
	s6 =	sadd.s32 @!p0 s3, s7;
	s7 =	simm.s32 @!p0 $0x108  }
0x21: {  	s3 =	sadd.s32 s3, s9;
	s6 =	sadd.s32 @!p0 $0x88, s6;
	s7 =	simm.s32 @p2 $0x1082  }
0x22: {  	[simem:s7], [sflag:s8] =	dma.local @!p0 [hbm:s6], $0xF7A  }
0x23: {  	s9 =	sor.u32 $0xD0000000, s2;
	s6 =	simm.s32 $0x108;
	_ =	swait.ge @!p0 [sflag:s8], $0x0  }
0x24: {  	s3 =	sadd.s32 $0x88, s3;
	s6 =	simm.s32 @!p1 $0x1082;
	[sflag:s4] =	ssyncset.s32 $0xFFFFF086  }
0x25: {  	[simem:s6], [sflag:s4] =	dma.local [hbm:s3], $0xF7A  }
0x26: {  	[smem:$0x3F96] =	sst s1;
	(tag) =	ssettag s2;
	_ =	strace s9  }
0x27: {  	s1 =	sld [smem:$0x3FA6]  }
0x28: {  	s2 =	sld [smem:$0x3FA7]  }
0x29: {  	s4 =	sld [smem:$0x3FA9]  }
0x2a: {  	p0 =	seq.s32 s5, $0x0;
	s5 =	sld [smem:$0x3FAA]  }
0x2b: {  	s6 =	sld [smem:$0x3FAB]  }
0x2c: {  	s7 =	sld [smem:$0x3FAC]  }
0x2d: {  	s3 =	simm.s32 $0x108;
	s8 =	sld [smem:$0x3FAD]  }
0x2e: {  	s3 =	simm.s32 @!p0 $0x1082;
	s9 =	sld [smem:$0x3FAE]  }
0x2f: {  	lr =	sadd.s32 s0, s3;
	s0 =	sld [smem:$0x3FA5]  }
0x30: {  	s3 =	sld [smem:$0x3FA8]  }
0x31: {  	[smem:$0x3FB1] =	sst s10  }
0x32: {  	s10 =	sld [smem:$0x3FAF];
	_ =	sdelay $0x3  }
0x33: {  	p0 =	seq.s32 s10, $0x1;
	s10 =	sld [smem:$0x3FB1];
	_ =	sdelay $0x3  }
0x34: {  	[smem:$0x3FB1] =	sst s10  }
0x35: {  	s10 =	sld [smem:$0x3FB0];
	_ =	sdelay $0x3  }
0x36: {  	p1 =	seq.s32 s10, $0x1;
	s10 =	sld [smem:$0x3FB1];
	_ =	sdelay $0x3  }
0x37: {  	[smem:$0x3FB1] =	sst s10  }
0x38: {  	s10 =	sld [smem:$0x3FB2]  }
0x39: {  	_ = 	snop;
	(pc) =	sbr.ind lr, $3  }
0x3a: {  	_ = 	snop  }
0x3b: {  	_ = 	snop  }
0x3c: {  	p2 =	seq.s32 s10, $0x1;
	s10 =	sld [smem:$0x3FB1]  }
0x3d: {  	_ =	shalt  }
0x3e: {  	_ =	shalt  }
0x3f: {  	_ =	shalt  }
0x40: {  	_ =	shalt  }
0x41: {  	_ =	shalt  }
0x42: {  	_ =	shalt  }
0x43: {  	_ =	shalt  }
0x44: {  	_ =	shalt  }
0x45: {  	_ =	shalt  }
0x46: {  	_ =	shalt  }
0x47: {  	_ =	shalt  }
0x48: {  	_ =	shalt  }
0x49: {  	_ =	shalt  }
0x4a: {  	_ =	shalt  }
0x4b: {  	_ =	shalt  }
0x4c: {  	_ =	shalt  }
0x4d: {  	_ =	shalt  }
0x4e: {  	_ =	shalt  }
0x4f: {  	_ =	shalt  }
0x50: {  	_ =	shalt  }
0x51: {  	_ =	shalt  }
0x52: {  	_ =	shalt  }
0x53: {  	_ =	shalt  }
0x54: {  	_ =	shalt  }
0x55: {  	_ =	shalt  }
0x56: {  	_ =	shalt  }
0x57: {  	_ =	shalt  }
0x58: {  	_ =	shalt  }
0x59: {  	_ =	shalt  }
0x5a: {  	_ =	shalt  }
0x5b: {  	_ =	shalt  }
0x5c: {  	_ =	shalt  }
0x5d: {  	_ =	shalt  }
0x5e: {  	_ =	shalt  }
0x5f: {  	_ =	shalt  }
0x60: {  	_ =	shalt  }
0x61: {  	_ =	shalt  }
0x62: {  	_ =	shalt  }
0x63: {  	_ =	shalt  }
0x64: {  	_ =	shalt  }
0x65: {  	_ =	shalt  }
0x66: {  	_ =	shalt  }
0x67: {  	_ =	shalt  }
0x68: {  	_ =	shalt  }
0x69: {  	_ =	shalt  }
0x6a: {  	_ =	shalt  }
0x6b: {  	_ =	shalt  }
0x6c: {  	_ =	shalt  }
0x6d: {  	_ =	shalt  }
0x6e: {  	_ =	shalt  }
0x6f: {  	_ =	shalt  }
0x70: {  	_ =	shalt  }
0x71: {  	_ =	shalt  }
0x72: {  	_ =	shalt  }
0x73: {  	_ =	shalt  }
0x74: {  	_ =	shalt  }
0x75: {  	_ =	shalt  }
0x76: {  	_ =	shalt  }
0x77: {  	_ =	shalt  }
0x78: {  	_ =	shalt  }
0x79: {  	_ =	shalt  }
0x7a: {  	_ =	shalt  }
0x7b: {  	_ =	shalt  }
0x7c: {  	_ =	shalt  }
0x7d: {  	_ =	shalt  }
0x7e: {  	_ =	shalt  }
0x7f: {  	_ =	shalt  }
0x80: {  	_ =	shalt  }
0x81: {  	_ =	shalt  }
0x82: {  	_ =	shalt  }
0x83: {  	_ =	shalt  }
0x84: {  	_ =	shalt  }
0x85: {  	_ =	shalt  }
0x86: {  	_ =	shalt  }
0x87: {  	_ =	shalt  }
.Lfunc_end0:
.L_simem_size_0:
called_computation_lowered:
.L_overlay_start_0:
0x88: {  	s2 =	sld [smem:$0x3FD9]  }
0x89: {  	s3 =	sld [smem:$0x3FFE];
	_ =	sdelay $0x1  }
0x8a: {  	s1 =	srdreg.scid  }
0x8b: {  	s0 =	sand.u32 $0x1, s1  }
0x8c: {  	s14 =	sshll.u32 s0, $0xA;
	s2 =	sadd.s32 s3, s2  }
0x8d: {  	s2 =	sadd.s32 s2, s14  }
0x8e: {  	[smem:$0x3FBD] =	sst s2  }
0x8f: {  	_ = 	snop  }
0x90: {  	s2 =	sld [smem:$0x3FD0];
	_ =	sdelay $0x2  }
0x91: {  	s4 =	simm.s32 $0xA;
	s5 =	simm.s32 $0x10;
	s15 =	sld [smem:$0x3FC9]  }
0x92: {  	[smem:s5], [sflag:s4] =	dma.local [hbm:s2], $0x1  }
0x93: {  	_ =	swait.eq [sflag:s4], $0x1  }
0x94: {  	[sflag:s4] =	ssyncset.done $0x0  }
0x95: {  	[sflag:s4] =	ssyncadd.s32 $0xFFFFFFFF  }
0x96: {  	s16 =	sld [smem:$0x10];
	(tm) =	ssettm $0x1  }
0x97: {  	s17 =	sld [smem:$0x3FFB];
	_ =	sdelay $0x3  }
0x98: {  	_ =	strace s17  }
0x99: {  	s4 =	sld [smem:$0x3FFC];
	_ =	sdelay $0x3  }
0x9a: {  	_ =	strace s4  }
0x9b: {  	s4 =	sld [smem:$0x3FFD];
	_ =	sdelay $0x3  }
0x9c: {  	_ =	strace s4  }
0x9d: {  	_ =	strace $0x8FFFFFFF  }
0x9e: {  	s18 =	sld [smem:$0x3FDB];
	_ =	sdelay $0x1  }
0x9f: {  	s19 =	simm.s32 $_scs_section_size  }
0xa0: {  	s6 =	simm.s32 $_size__tile_overlayer_lowered;
	s7 =	simm.s32 $_tile_overlayer_lowered  }
0xa1: {  	s22 =	simm.s32 $0x1BFF;
	s21 =	sshll.u32 s7, $0x1;
	s4 =	sadd.s32 s19, s18  }
0xa2: {  	s8 =	simm.s32 $0x0;
	s20 =	sshll.u32 s6, $0x1;
	s6 =	sadd.s32 s21, s4  }
0xa3: {  	[timem:s8], [sflag:s22] =	dma.local [hbm:s6], s20  }
0xa4: {  	_ =	swait.ge [sflag:s22], s20  }
0xa5: {  	s5 =	ssub.s32 $0x0, s20;
	[sflag:s22] =	ssyncset.done $0x0  }
0xa6: {  	[sflag:s22] =	ssyncadd.s32 s5;
	_ =	sdelay $0x1  }
0xa7: {  	s23 =	simm.s32 $0x1B8B  }
0xa8: {  	_ =	swait.ge [sflag:s23], $0x1  }
0xa9: {  	[sflag:s23] =	ssyncset.done $0x0  }
0xaa: {  	s25 =	simm.s32 $0x1B8E;
	s24 =	sld [smem:$0x3FFE];
	[sflag:s23] =	ssyncadd.s32 $0xFFFFFFFF  }
0xab: {  	s26 =	simm.s32 $execute0_lowered;
	[smem:$0x3FD2] =	sst s25  }
0xac: {  	s6 =	sshll.u32 s26, $0x1;
	_ =	strace $0x80000046;
	[dreg:$0x1] =	wrdreg $0xFFFFFFFF  }
0xad: {  	s28 =	simm.s32 $_size_execute0_lowered;
	s4 =	sadd.s32 s4, s6;
	[dreg:$0x0] =	wrdreg $0x0  }
0xae: {  	s6 =	sshll.u32 s28, $0x1;
	[dreg:$0x2] =	wrdreg s4  }
0xaf: {  	[dreg:$0x3] =	wrdreg s6  }
0xb0: {  	[dreg:$0x4] =	wrdreg $0xC0  }
0xb1: {  	_ =	task [dreg:s8], $0x5FFFF  }
0xb2: {  	[dreg:$0x1] =	wrdreg $0xFFFFFFFF  }
0xb3: {  	[dreg:$0x0] =	wrdreg $0x60  }
0xb4: {  	[dreg:$0x2] =	wrdreg s15  }
0xb5: {  	[dreg:$0x3] =	wrdreg s16  }
0xb6: {  	[dreg:$0x4] =	wrdreg s24  }
0xb7: {  	[dreg:$0x5] =	wrdreg $0x9  }
0xb8: {  	_ =	task.clear_ibuf [dreg:s8], $0x6FFFF;
	_ =	strace $0x90000046  }
0xb9: {  	s29 =	simm.s32 $0x9;
	_ =	strace $0x80000048  }
0xba: {  	_ =	swait.ge [sflag:s29], $0x1  }
0xbb: {  	[sflag:s29] =	ssyncadd.s32 $0xFFFFFFFF  }
0xbc: {  	_ =	strace $0x90000048  }
0xbd: {  	_ =	sfence  }
0xbe: {  	s30 =	sld [smem:$0x0];
	_ =	sdelay $0x2  }
0xbf: {  	s31 =	sshll.u32 s1, $0xD;
	s1 =	sshrl.u32 s1, $0x2  }
0xc0: {  	s3 =	sand.u32 $0x4000, s31;
	s1 =	sadd.s32 s1, s30  }
0xc1: {  	s0 =	sor.u32 s3, s0;
	s1 =	sshll.u32 s1, $0x11  }
0xc2: {  	s0 =	sor.u32 s1, s0  }
0xc3: {  	s0 =	sadd.s32 $0x8F2B, s0  }
0xc4: {  	[sflag:s0] =	ssyncadd.remote.s32 $0x1  }
0xc5: {  	_ =	sfence.sel $0xFFFF  }
0xc6: {  	[dreg:$0x0] =	wrdreg $0xFFFFFFFF;
	(pc) =	sbr.abs _section_cstart, $3  }
0xc7: {  	[dreg:$0x1] =	wrdreg $0xFFFFFFFF  }
0xc8: {  	_ =	task.clear_ibuf [dreg:s8], $0x2FFFF;
	_ =	strace $0x9FFFFFFF  }
0xc9: {  	(tm) =	ssettm $0x7FFFFFFF  }
tec
execute0_lowered:
.L_overlay_start_1:
0x0: {  	(tag) =	ssettag $0x1  }
0x1: {  	s1 =	rddreg [dreg:$0x0]  }
0x2: {  	s4 =	rddreg [dreg:$0x1]  }
0x3: {  	s5 =	rddreg [dreg:$0x2]  }
0x4: {  	s0 =	rddreg [dreg:$0x3]  }
0x5: {  	s3 =	simm.s32 $0x0;
	s2 =	stileid.u32;
	s6 =	srdreg.scid  }
0x6: {  	s10 =	simm.s32 $0x4F80;
	s11 =	simm.s32 $0x6380;
	s12 =	simm.s32 $0x7780  }
0x7: {  	s13 =	simm.s32 $0x8B80;
	s14 =	simm.s32 $0x9F80;
	s15 =	simm.s32 $0xB380  }
0x8: {  	s16 =	simm.s32 $0xC780;
	s17 =	simm.s32 $0xDB80;
	s18 =	simm.s32 $0x1  }
0x9: {  	s19 =	simm.s32 $0x2;
	s20 =	simm.s32 $0x0;
	s7 =	smul.u32 $0x4E200, s2  }
0xa: {  	s6 =	sand.u32 $0x1, s6;
	s8 =	sshll.u32 s2, $0x1;
	[smem:$0x7FF] =	sst s3  }
0xb: {  	s8 =	sor.u32 s6, s8;
	s9 =	smul.u32 $0x27100, s6;
	s6 =	ssub.s32 $0x2, s6  }
0xc: {  	_ =	strace $0x80000047;
	s5 =	sadd.s32 s7, s5;
	s29 =	smul.u32 $0x2710, s8  }
0xd: {  	s30 =	sshrl.u32 s6, $0x1;
	s8 =	simm.s32 $0x2780;
	s5 =	sadd.s32 s9, s5  }
0xe: {  	s6 =	ssub.s32 s6, s30;
	s9 =	simm.s32 $0x3B80;
	s7 =	sshrl.u32 s29, $0x3  }
0xf: {  	s31 =	sadd.s32 $0x2800, s5;
	s5 =	smax.u32 s6, $0x1;
	s6 =	simm.s32 $0x3  }
0x10: {  	s4 =	sadd.s32 s4, s7;
	[dreg:$0x4] =	wrdreg s31;
	s7 =	simm.s32 $0x28  }
.LBB2_1:
0x11: {  	[tilespmem:s3], [sflag:$0x3] =	stream.linear.gather [hbm4b:s4+s3], $0x2710, $0x38;
	[tilespmem:$0xEF80] =	vst v63  }
0x12: {  	_ =	swait.ge [sflag:s6], $0x2710  }
0x13: {  	p0 =	por $0x1, $0x1;
	[sflag:s6] =	ssyncset.done $0x0  }
0x14: {  	s21 =	simm.s32 @!p0 $0x2;
	[sflag:s6] =	ssyncadd.s32 $0xFFFFD8F0  }
0x15: {  	_ =	swait.ge @!p0 [sflag:s21], $0x1400  }
0x16: {  	[sflag:s21] =	ssyncset.done @!p0 $0x0  }
0x17: {  	[sflag:s21] =	ssyncadd.s32 @!p0 $0xFFFFEC00  }
0x18: {  	_ =	swait.ge @!p0 [sflag:s21], $0x1400  }
0x19: {  	[sflag:s21] =	ssyncset.done @!p0 $0x0  }
0x1a: {  	[sflag:s21] =	ssyncadd.s32 @!p0 $0xFFFFEC00  }
0x1b: {  	_ =	swait.ge @!p0 [sflag:s21], $0x1400  }
0x1c: {  	[sflag:s21] =	ssyncset.done @!p0 $0x0  }
0x1d: {  	[sflag:s21] =	ssyncadd.s32 @!p0 $0xFFFFEC00  }
0x1e: {  	_ =	swait.ge @!p0 [sflag:s21], $0x1400  }
0x1f: {  	[sflag:s21] =	ssyncset.done @!p0 $0x0  }
0x20: {  	[sflag:s21] =	ssyncadd.s32 @!p0 $0xFFFFEC00  }
0x21: {  	_ =	swait.ge @!p0 [sflag:s21], $0x1400  }
0x22: {  	[sflag:s21] =	ssyncset.done @!p0 $0x0  }
0x23: {  	[sflag:s21] =	ssyncadd.s32 @!p0 $0xFFFFEC00  }
0x24: {  	_ =	swait.ge @!p0 [sflag:s21], $0x1400  }
0x25: {  	[sflag:s21] =	ssyncset.done @!p0 $0x0  }
0x26: {  	[sflag:s21] =	ssyncadd.s32 @!p0 $0xFFFFEC00  }
0x27: {  	_ =	swait.ge @!p0 [sflag:s21], $0x1400  }
0x28: {  	[sflag:s21] =	ssyncset.done @!p0 $0x0  }
0x29: {  	[sflag:s21] =	ssyncadd.s32 @!p0 $0xFFFFEC00  }
0x2a: {  	_ =	swait.ge @!p0 [sflag:s21], $0x1400  }
0x2b: {  	[sflag:s21] =	ssyncset.done @!p0 $0x0  }
0x2c: {  	[sflag:s21] =	ssyncadd.s32 @!p0 $0xFFFFEC00  }
0x2d: {  	_ =	swait.ge @!p0 [sflag:s21], $0x1400  }
0x2e: {  	[sflag:s21] =	ssyncset.done @!p0 $0x0  }
0x2f: {  	[sflag:s21] =	ssyncadd.s32 @!p0 $0xFFFFEC00  }
0x30: {  	_ =	swait.ge @!p0 [sflag:s21], $0x1400  }
0x31: {  	[sflag:s21] =	ssyncset.done @!p0 $0x0  }
0x32: {  	s23 =	simm.s32 $0x0;
	[sflag:s21] =	ssyncadd.s32 @!p0 $0xFFFFEC00  }
0x33: {  	[tilespmem:s8], [sflag:$0x1] =	stream.indirect.gather [hbm4b:s1+s7], $0x80, s23, s7, $0xb8;
	[tilespmem:$0xEF80] =	vst v63  }
0x34: {  	s24 =	simm.s32 $0x28  }
0x35: {  	[tilespmem:s9], [sflag:$0x1] =	stream.indirect.gather [hbm4b:s1+s7], $0x80, s24, s7, $0xb8;
	[tilespmem:$0xEF80] =	vst v63  }
0x36: {  	s25 =	simm.s32 $0x50  }
0x37: {  	[tilespmem:s10], [sflag:$0x1] =	stream.indirect.gather [hbm4b:s1+s7], $0x80, s25, s7, $0xb8;
	[tilespmem:$0xEF80] =	vst v63  }
0x38: {  	s26 =	simm.s32 $0x78  }
0x39: {  	[tilespmem:s11], [sflag:$0x1] =	stream.indirect.gather [hbm4b:s1+s7], $0x80, s26, s7, $0xb8;
	[tilespmem:$0xEF80] =	vst v63  }
0x3a: {  	s28 =	simm.s32 $0xA0  }
0x3b: {  	[tilespmem:s12], [sflag:$0x1] =	stream.indirect.gather [hbm4b:s1+s7], $0x80, s28, s7, $0xb8;
	[tilespmem:$0xEF80] =	vst v63  }
0x3c: {  	s29 =	simm.s32 $0xC8  }
0x3d: {  	[tilespmem:s13], [sflag:$0x1] =	stream.indirect.gather [hbm4b:s1+s7], $0x80, s29, s7, $0xb8;
	[tilespmem:$0xEF80] =	vst v63  }
0x3e: {  	s30 =	simm.s32 $0xF0  }
0x3f: {  	[tilespmem:s14], [sflag:$0x1] =	stream.indirect.gather [hbm4b:s1+s7], $0x80, s30, s7, $0xb8;
	[tilespmem:$0xEF80] =	vst v63  }
0x40: {  	s31 =	simm.s32 $0x118  }
0x41: {  	[tilespmem:s15], [sflag:$0x1] =	stream.indirect.gather [hbm4b:s1+s7], $0x80, s31, s7, $0xb8;
	[tilespmem:$0xEF80] =	vst v63  }
0x42: {  	s22 =	simm.s32 $0x140  }
0x43: {  	[tilespmem:s16], [sflag:$0x1] =	stream.indirect.gather [hbm4b:s1+s7], $0x80, s22, s7, $0xb8;
	[tilespmem:$0xEF80] =	vst v63  }
0x44: {  	s23 =	simm.s32 $0x168  }
0x45: {  	[tilespmem:s17], [sflag:$0x1] =	stream.indirect.gather [hbm4b:s1+s7], $0x80, s23, s7, $0xb8;
	[tilespmem:$0xEF80] =	vst v63  }
0x46: {  	_ =	swait.ge [sflag:s18], $0x1400  }
0x47: {  	s24 =	rddreg [dreg:$0x4];
	[sflag:s18] =	ssyncset.done $0x0  }
0x48: {  	[sflag:s18] =	ssyncadd.s32 $0xFFFFEC00;
	s24 =	sadd.s32 $0x0, s24  }
0x49: {  	[hbm4b:s24+s3] =	stream.linear.scatter [tilespmem:s8], [sflag:$0x2], $0x1400, $0x38;
	[tilespmem:$0xEF80] =	vst v63  }
0x4a: {  	_ =	swait.ge [sflag:s18], $0x1400  }
0x4b: {  	[sflag:s18] =	ssyncset.done $0x0  }
0x4c: {  	s21 =	sadd.s32 $0x280, s24;
	[sflag:s18] =	ssyncadd.s32 $0xFFFFEC00  }
0x4d: {  	[hbm4b:s21+s3] =	stream.linear.scatter [tilespmem:s9], [sflag:$0x2], $0x1400, $0x38;
	[tilespmem:$0xEF80] =	vst v63  }
0x4e: {  	_ =	swait.ge [sflag:s18], $0x1400  }
0x4f: {  	[sflag:s18] =	ssyncset.done $0x0  }
0x50: {  	s25 =	sadd.s32 $0x500, s24;
	[sflag:s18] =	ssyncadd.s32 $0xFFFFEC00  }
0x51: {  	[hbm4b:s25+s3] =	stream.linear.scatter [tilespmem:s10], [sflag:$0x2], $0x1400, $0x38;
	[tilespmem:$0xEF80] =	vst v63  }
0x52: {  	_ =	swait.ge [sflag:s18], $0x1400  }
0x53: {  	[sflag:s18] =	ssyncset.done $0x0  }
0x54: {  	s26 =	sadd.s32 $0x780, s24;
	[sflag:s18] =	ssyncadd.s32 $0xFFFFEC00  }
0x55: {  	[hbm4b:s26+s3] =	stream.linear.scatter [tilespmem:s11], [sflag:$0x2], $0x1400, $0x38;
	[tilespmem:$0xEF80] =	vst v63  }
0x56: {  	_ =	swait.ge [sflag:s18], $0x1400  }
0x57: {  	[sflag:s18] =	ssyncset.done $0x0  }
0x58: {  	s28 =	sadd.s32 $0xA00, s24;
	[sflag:s18] =	ssyncadd.s32 $0xFFFFEC00  }
0x59: {  	[hbm4b:s28+s3] =	stream.linear.scatter [tilespmem:s12], [sflag:$0x2], $0x1400, $0x38;
	[tilespmem:$0xEF80] =	vst v63  }
0x5a: {  	_ =	swait.ge [sflag:s18], $0x1400  }
0x5b: {  	[sflag:s18] =	ssyncset.done $0x0  }
0x5c: {  	s29 =	sadd.s32 $0xC80, s24;
	[sflag:s18] =	ssyncadd.s32 $0xFFFFEC00  }
0x5d: {  	[hbm4b:s29+s3] =	stream.linear.scatter [tilespmem:s13], [sflag:$0x2], $0x1400, $0x38;
	[tilespmem:$0xEF80] =	vst v63  }
0x5e: {  	_ =	swait.ge [sflag:s18], $0x1400  }
0x5f: {  	[sflag:s18] =	ssyncset.done $0x0  }
0x60: {  	s30 =	sadd.s32 $0xF00, s24;
	[sflag:s18] =	ssyncadd.s32 $0xFFFFEC00  }
0x61: {  	[hbm4b:s30+s3] =	stream.linear.scatter [tilespmem:s14], [sflag:$0x2], $0x1400, $0x38;
	[tilespmem:$0xEF80] =	vst v63  }
0x62: {  	_ =	swait.ge [sflag:s18], $0x1400  }
0x63: {  	[sflag:s18] =	ssyncset.done $0x0  }
0x64: {  	s31 =	sadd.s32 $0x1180, s24;
	[sflag:s18] =	ssyncadd.s32 $0xFFFFEC00  }
0x65: {  	[hbm4b:s31+s3] =	stream.linear.scatter [tilespmem:s15], [sflag:$0x2], $0x1400, $0x38;
	[tilespmem:$0xEF80] =	vst v63  }
0x66: {  	_ =	swait.ge [sflag:s18], $0x1400  }
0x67: {  	[sflag:s18] =	ssyncset.done $0x0  }
0x68: {  	p1 =	por $0x0, $0x0;
	s22 =	sadd.s32 $0x1400, s24;
	[sflag:s18] =	ssyncadd.s32 $0xFFFFEC00  }
0x69: {  	[hbm4b:s22+s3] =	stream.linear.scatter [tilespmem:s16], [sflag:$0x2], $0x1400, $0x38;
	[tilespmem:$0xEF80] =	vst v63  }
0x6a: {  	s23 =	simm.s32 $0x3200;
	s21 =	simm.s32 $0x1900;
	_ =	swait.ge [sflag:s18], $0x1400  }
0x6b: {  	s26 =	sadd.s32 $0x1680, s24;
	s22 =	simm.s32 $0x2F8;
	[sflag:s18] =	ssyncset.done $0x0  }
.LBB2_2:
0x6c: {  	s25 =	simm.s32 @!p1 $0x2;
	[sflag:s18] =	ssyncadd.s32 $0xFFFFEC00  }
0x6d: {  	[hbm4b:s26+s3] =	stream.linear.scatter [tilespmem:s17], [sflag:$0x2], $0x1400, $0x38;
	[tilespmem:$0xEF80] =	vst v63  }
0x6e: {  	_ =	swait.ge @!p1 [sflag:s25], $0x1400  }
0x6f: {  	[sflag:s25] =	ssyncset.done @!p1 $0x0  }
0x70: {  	[sflag:s25] =	ssyncadd.s32 @!p1 $0xFFFFEC00  }
0x71: {  	_ =	swait.ge @!p1 [sflag:s25], $0x1400  }
0x72: {  	[sflag:s25] =	ssyncset.done @!p1 $0x0  }
0x73: {  	[sflag:s25] =	ssyncadd.s32 @!p1 $0xFFFFEC00  }
0x74: {  	_ =	swait.ge @!p1 [sflag:s25], $0x1400  }
0x75: {  	[sflag:s25] =	ssyncset.done @!p1 $0x0  }
0x76: {  	[sflag:s25] =	ssyncadd.s32 @!p1 $0xFFFFEC00  }
0x77: {  	_ =	swait.ge @!p1 [sflag:s25], $0x1400  }
0x78: {  	[sflag:s25] =	ssyncset.done @!p1 $0x0  }
0x79: {  	[sflag:s25] =	ssyncadd.s32 @!p1 $0xFFFFEC00  }
0x7a: {  	_ =	swait.ge @!p1 [sflag:s25], $0x1400  }
0x7b: {  	[sflag:s25] =	ssyncset.done @!p1 $0x0  }
0x7c: {  	[sflag:s25] =	ssyncadd.s32 @!p1 $0xFFFFEC00  }
0x7d: {  	_ =	swait.ge @!p1 [sflag:s25], $0x1400  }
0x7e: {  	[sflag:s25] =	ssyncset.done @!p1 $0x0  }
0x7f: {  	[sflag:s25] =	ssyncadd.s32 @!p1 $0xFFFFEC00  }
0x80: {  	_ =	swait.ge @!p1 [sflag:s25], $0x1400  }
0x81: {  	[sflag:s25] =	ssyncset.done @!p1 $0x0  }
0x82: {  	[sflag:s25] =	ssyncadd.s32 @!p1 $0xFFFFEC00  }
0x83: {  	_ =	swait.ge @!p1 [sflag:s25], $0x1400  }
0x84: {  	[sflag:s25] =	ssyncset.done @!p1 $0x0  }
0x85: {  	[sflag:s25] =	ssyncadd.s32 @!p1 $0xFFFFEC00  }
0x86: {  	_ =	swait.ge @!p1 [sflag:s25], $0x1400  }
0x87: {  	[sflag:s25] =	ssyncset.done @!p1 $0x0  }
0x88: {  	[sflag:s25] =	ssyncadd.s32 @!p1 $0xFFFFEC00  }
0x89: {  	_ =	swait.ge @!p1 [sflag:s25], $0x1400  }
0x8a: {  	[sflag:s25] =	ssyncset.done @!p1 $0x0  }
0x8b: {  	s29 =	sadd.s32 $0xFFFFFE98, s22;
	[sflag:s25] =	ssyncadd.s32 @!p1 $0xFFFFEC00  }
0x8c: {  	[tilespmem:s8], [sflag:$0x1] =	stream.indirect.gather [hbm4b:s1+s7], $0x80, s29, s7, $0xb8;
	[tilespmem:$0xEF80] =	vst v63  }
0x8d: {  	s30 =	sadd.s32 $0xFFFFFEC0, s22  }
0x8e: {  	[tilespmem:s9], [sflag:$0x1] =	stream.indirect.gather [hbm4b:s1+s7], $0x80, s30, s7, $0xb8;
	[tilespmem:$0xEF80] =	vst v63  }
0x8f: {  	s31 =	sadd.s32 $0xFFFFFEE8, s22  }
0x90: {  	[tilespmem:s10], [sflag:$0x1] =	stream.indirect.gather [hbm4b:s1+s7], $0x80, s31, s7, $0xb8;
	[tilespmem:$0xEF80] =	vst v63  }
0x91: {  	s26 =	sadd.s32 $0xFFFFFF10, s22  }
0x92: {  	[tilespmem:s11], [sflag:$0x1] =	stream.indirect.gather [hbm4b:s1+s7], $0x80, s26, s7, $0xb8;
	[tilespmem:$0xEF80] =	vst v63  }
0x93: {  	s28 =	sadd.s32 $0xFFFFFF38, s22  }
0x94: {  	[tilespmem:s12], [sflag:$0x1] =	stream.indirect.gather [hbm4b:s1+s7], $0x80, s28, s7, $0xb8;
	[tilespmem:$0xEF80] =	vst v63  }
0x95: {  	s29 =	sadd.s32 $0xFFFFFF60, s22  }
0x96: {  	[tilespmem:s13], [sflag:$0x1] =	stream.indirect.gather [hbm4b:s1+s7], $0x80, s29, s7, $0xb8;
	[tilespmem:$0xEF80] =	vst v63  }
0x97: {  	s30 =	sadd.s32 $0xFFFFFF88, s22  }
0x98: {  	[tilespmem:s14], [sflag:$0x1] =	stream.indirect.gather [hbm4b:s1+s7], $0x80, s30, s7, $0xb8;
	[tilespmem:$0xEF80] =	vst v63  }
0x99: {  	s31 =	sadd.s32 $0xFFFFFFB0, s22  }
0x9a: {  	[tilespmem:s15], [sflag:$0x1] =	stream.indirect.gather [hbm4b:s1+s7], $0x80, s31, s7, $0xb8;
	[tilespmem:$0xEF80] =	vst v63  }
0x9b: {  	s26 =	sadd.s32 $0xFFFFFFD8, s22  }
0x9c: {  	[tilespmem:s16], [sflag:$0x1] =	stream.indirect.gather [hbm4b:s1+s7], $0x80, s26, s7, $0xb8;
	[tilespmem:$0xEF80] =	vst v63  }
0x9d: {  	_ = 	snop  }
0x9e: {  	[tilespmem:s17], [sflag:$0x1] =	stream.indirect.gather [hbm4b:s1+s7], $0x80, s22, s7, $0xb8;
	[tilespmem:$0xEF80] =	vst v63  }
0x9f: {  	_ =	swait.ge [sflag:s18], $0x1400  }
0xa0: {  	s28 =	rddreg [dreg:$0x4];
	[sflag:s18] =	ssyncset.done $0x0  }
0xa1: {  	[sflag:s18] =	ssyncadd.s32 $0xFFFFEC00;
	s25 =	sadd.s32 s21, s28  }
0xa2: {  	[hbm4b:s25+s3] =	stream.linear.scatter [tilespmem:s8], [sflag:$0x2], $0x1400, $0x38;
	[tilespmem:$0xEF80] =	vst v63  }
0xa3: {  	_ =	swait.ge [sflag:s18], $0x1400  }
0xa4: {  	[sflag:s18] =	ssyncset.done $0x0  }
0xa5: {  	s29 =	sadd.s32 $0x280, s25;
	[sflag:s18] =	ssyncadd.s32 $0xFFFFEC00  }
0xa6: {  	[hbm4b:s29+s3] =	stream.linear.scatter [tilespmem:s9], [sflag:$0x2], $0x1400, $0x38;
	[tilespmem:$0xEF80] =	vst v63  }
0xa7: {  	_ =	swait.ge [sflag:s18], $0x1400  }
0xa8: {  	[sflag:s18] =	ssyncset.done $0x0  }
0xa9: {  	s30 =	sadd.s32 $0x500, s25;
	[sflag:s18] =	ssyncadd.s32 $0xFFFFEC00  }
0xaa: {  	[hbm4b:s30+s3] =	stream.linear.scatter [tilespmem:s10], [sflag:$0x2], $0x1400, $0x38;
	[tilespmem:$0xEF80] =	vst v63  }
0xab: {  	_ =	swait.ge [sflag:s18], $0x1400  }
0xac: {  	[sflag:s18] =	ssyncset.done $0x0  }
0xad: {  	s31 =	sadd.s32 $0x780, s25;
	[sflag:s18] =	ssyncadd.s32 $0xFFFFEC00  }
0xae: {  	[hbm4b:s31+s3] =	stream.linear.scatter [tilespmem:s11], [sflag:$0x2], $0x1400, $0x38;
	[tilespmem:$0xEF80] =	vst v63  }
0xaf: {  	_ =	swait.ge [sflag:s18], $0x1400  }
0xb0: {  	[sflag:s18] =	ssyncset.done $0x0  }
0xb1: {  	s26 =	sadd.s32 $0xA00, s25;
	[sflag:s18] =	ssyncadd.s32 $0xFFFFEC00  }
0xb2: {  	[hbm4b:s26+s3] =	stream.linear.scatter [tilespmem:s12], [sflag:$0x2], $0x1400, $0x38;
	[tilespmem:$0xEF80] =	vst v63  }
0xb3: {  	_ =	swait.ge [sflag:s18], $0x1400  }
0xb4: {  	[sflag:s18] =	ssyncset.done $0x0  }
0xb5: {  	s28 =	sadd.s32 $0xC80, s25;
	[sflag:s18] =	ssyncadd.s32 $0xFFFFEC00  }
0xb6: {  	[hbm4b:s28+s3] =	stream.linear.scatter [tilespmem:s13], [sflag:$0x2], $0x1400, $0x38;
	[tilespmem:$0xEF80] =	vst v63  }
0xb7: {  	_ =	swait.ge [sflag:s18], $0x1400  }
0xb8: {  	[sflag:s18] =	ssyncset.done $0x0  }
0xb9: {  	s29 =	sadd.s32 $0xF00, s25;
	[sflag:s18] =	ssyncadd.s32 $0xFFFFEC00  }
0xba: {  	[hbm4b:s29+s3] =	stream.linear.scatter [tilespmem:s14], [sflag:$0x2], $0x1400, $0x38;
	[tilespmem:$0xEF80] =	vst v63  }
0xbb: {  	_ =	swait.ge [sflag:s18], $0x1400  }
0xbc: {  	s24 =	smov.u32 s23;
	[sflag:s18] =	ssyncset.done $0x0  }
0xbd: {  	s23 =	sadd.s32 $0x1900, s23;
	s30 =	sadd.s32 $0x1180, s25;
	[sflag:s18] =	ssyncadd.s32 $0xFFFFEC00  }
0xbe: {  	[hbm4b:s30+s3] =	stream.linear.scatter [tilespmem:s15], [sflag:$0x2], $0x1400, $0x38;
	[tilespmem:$0xEF80] =	vst v63  }
0xbf: {  	p0 =	sne.s32 s23, $0x27100;
	_ =	swait.ge [sflag:s18], $0x1400  }
.Ltmp0:
0xc0: {  	[sflag:s18] =	ssyncset.done $0x0;
	(pc) =	sbr.rel @p0 .LBB2_2-.Ltmp0, $4  }
0xc1: {  	s31 =	sadd.s32 $0x1400, s25;
	[sflag:s18] =	ssyncadd.s32 $0xFFFFEC00  }
0xc2: {  	[hbm4b:s31+s3] =	stream.linear.scatter [tilespmem:s16], [sflag:$0x2], $0x1400, $0x38;
	[tilespmem:$0xEF80] =	vst v63  }
0xc3: {  	s22 =	sadd.s32 $0x190, s22;
	s21 =	smov.u32 s24;
	_ =	swait.ge [sflag:s18], $0x1400  }
0xc4: {  	p1 =	seq.s32 s21, $0x0;
	s26 =	sadd.s32 $0x1680, s25;
	[sflag:s18] =	ssyncset.done $0x0  }
0xc5: {  	s23 =	simm.s32 @!p1 $0x2;
	[sflag:s18] =	ssyncadd.s32 $0xFFFFEC00  }
0xc6: {  	[hbm4b:s26+s3] =	stream.linear.scatter [tilespmem:s17], [sflag:$0x2], $0x1400, $0x38;
	[tilespmem:$0xEF80] =	vst v63  }
0xc7: {  	_ =	swait.ge @!p1 [sflag:s23], $0x1400  }
0xc8: {  	[sflag:s23] =	ssyncset.done @!p1 $0x0  }
0xc9: {  	[sflag:s23] =	ssyncadd.s32 @!p1 $0xFFFFEC00  }
0xca: {  	_ =	swait.ge @!p1 [sflag:s23], $0x1400  }
0xcb: {  	[sflag:s23] =	ssyncset.done @!p1 $0x0  }
0xcc: {  	[sflag:s23] =	ssyncadd.s32 @!p1 $0xFFFFEC00  }
0xcd: {  	_ =	swait.ge @!p1 [sflag:s23], $0x1400  }
0xce: {  	[sflag:s23] =	ssyncset.done @!p1 $0x0  }
0xcf: {  	[sflag:s23] =	ssyncadd.s32 @!p1 $0xFFFFEC00  }
0xd0: {  	_ =	swait.ge @!p1 [sflag:s23], $0x1400  }
0xd1: {  	[sflag:s23] =	ssyncset.done @!p1 $0x0  }
0xd2: {  	[sflag:s23] =	ssyncadd.s32 @!p1 $0xFFFFEC00  }
0xd3: {  	_ =	swait.ge @!p1 [sflag:s23], $0x1400  }
0xd4: {  	[sflag:s23] =	ssyncset.done @!p1 $0x0  }
0xd5: {  	[sflag:s23] =	ssyncadd.s32 @!p1 $0xFFFFEC00  }
0xd6: {  	_ =	swait.ge @!p1 [sflag:s23], $0x1400  }
0xd7: {  	[sflag:s23] =	ssyncset.done @!p1 $0x0  }
0xd8: {  	[sflag:s23] =	ssyncadd.s32 @!p1 $0xFFFFEC00  }
0xd9: {  	_ =	swait.ge @!p1 [sflag:s23], $0x1400  }
0xda: {  	[sflag:s23] =	ssyncset.done @!p1 $0x0  }
0xdb: {  	[sflag:s23] =	ssyncadd.s32 @!p1 $0xFFFFEC00  }
0xdc: {  	_ =	swait.ge @!p1 [sflag:s23], $0x1400  }
0xdd: {  	[sflag:s23] =	ssyncset.done @!p1 $0x0  }
0xde: {  	[sflag:s23] =	ssyncadd.s32 @!p1 $0xFFFFEC00  }
0xdf: {  	_ =	swait.ge @!p1 [sflag:s23], $0x1400  }
0xe0: {  	[sflag:s23] =	ssyncset.done @!p1 $0x0  }
0xe1: {  	[sflag:s23] =	ssyncadd.s32 @!p1 $0xFFFFEC00  }
0xe2: {  	_ =	swait.ge @!p1 [sflag:s23], $0x1400  }
0xe3: {  	[sflag:s23] =	ssyncset.done @!p1 $0x0  }
0xe4: {  	s30 =	sadd.s32 $0xFFFFFE98, s22;
	[sflag:s23] =	ssyncadd.s32 @!p1 $0xFFFFEC00  }
0xe5: {  	[tilespmem:s8], [sflag:$0x1] =	stream.indirect.gather [hbm4b:s1+s7], $0x80, s30, s7, $0xb8;
	[tilespmem:$0xEF80] =	vst v63  }
0xe6: {  	s31 =	sadd.s32 $0xFFFFFEC0, s22  }
0xe7: {  	[tilespmem:s9], [sflag:$0x1] =	stream.indirect.gather [hbm4b:s1+s7], $0x80, s31, s7, $0xb8;
	[tilespmem:$0xEF80] =	vst v63  }
0xe8: {  	s24 =	sadd.s32 $0xFFFFFEE8, s22  }
0xe9: {  	[tilespmem:s10], [sflag:$0x1] =	stream.indirect.gather [hbm4b:s1+s7], $0x80, s24, s7, $0xb8;
	[tilespmem:$0xEF80] =	vst v63  }
0xea: {  	s25 =	sadd.s32 $0xFFFFFF10, s22  }
0xeb: {  	[tilespmem:s11], [sflag:$0x1] =	stream.indirect.gather [hbm4b:s1+s7], $0x80, s25, s7, $0xb8;
	[tilespmem:$0xEF80] =	vst v63  }
0xec: {  	s26 =	sadd.s32 $0xFFFFFF38, s22  }
0xed: {  	[tilespmem:s12], [sflag:$0x1] =	stream.indirect.gather [hbm4b:s1+s7], $0x80, s26, s7, $0xb8;
	[tilespmem:$0xEF80] =	vst v63  }
0xee: {  	s28 =	sadd.s32 $0xFFFFFF60, s22  }
0xef: {  	[tilespmem:s13], [sflag:$0x1] =	stream.indirect.gather [hbm4b:s1+s7], $0x80, s28, s7, $0xb8;
	[tilespmem:$0xEF80] =	vst v63  }
0xf0: {  	s29 =	sadd.s32 $0xFFFFFF88, s22  }
0xf1: {  	[tilespmem:s14], [sflag:$0x1] =	stream.indirect.gather [hbm4b:s1+s7], $0x80, s29, s7, $0xb8;
	[tilespmem:$0xEF80] =	vst v63  }
0xf2: {  	s30 =	sadd.s32 $0xFFFFFFB0, s22  }
0xf3: {  	[tilespmem:s15], [sflag:$0x1] =	stream.indirect.gather [hbm4b:s1+s7], $0x80, s30, s7, $0xb8;
	[tilespmem:$0xEF80] =	vst v63  }
0xf4: {  	s31 =	sadd.s32 $0xFFFFFFD8, s22  }
0xf5: {  	[tilespmem:s16], [sflag:$0x1] =	stream.indirect.gather [hbm4b:s1+s7], $0x80, s31, s7, $0xb8;
	[tilespmem:$0xEF80] =	vst v63  }
0xf6: {  	_ = 	snop  }
0xf7: {  	[tilespmem:s17], [sflag:$0x1] =	stream.indirect.gather [hbm4b:s1+s7], $0x80, s22, s7, $0xb8;
	[tilespmem:$0xEF80] =	vst v63  }
0xf8: {  	_ =	swait.ge [sflag:s18], $0x1400  }
0xf9: {  	s23 =	rddreg [dreg:$0x4];
	[sflag:s18] =	ssyncset.done $0x0  }
0xfa: {  	[sflag:s18] =	ssyncadd.s32 $0xFFFFEC00;
	s21 =	sadd.s32 s21, s23  }
0xfb: {  	[hbm4b:s21+s3] =	stream.linear.scatter [tilespmem:s8], [sflag:$0x2], $0x1400, $0x38;
	[tilespmem:$0xEF80] =	vst v63  }
0xfc: {  	_ =	swait.ge [sflag:s18], $0x1400  }
0xfd: {  	[sflag:s18] =	ssyncset.done $0x0  }
0xfe: {  	s22 =	sadd.s32 $0x280, s21;
	[sflag:s18] =	ssyncadd.s32 $0xFFFFEC00  }
0xff: {  	[hbm4b:s22+s3] =	stream.linear.scatter [tilespmem:s9], [sflag:$0x2], $0x1400, $0x38;
	[tilespmem:$0xEF80] =	vst v63  }
0x100: {  	_ =	swait.ge [sflag:s18], $0x1400  }
0x101: {  	[sflag:s18] =	ssyncset.done $0x0  }
0x102: {  	s24 =	sadd.s32 $0x500, s21;
	[sflag:s18] =	ssyncadd.s32 $0xFFFFEC00  }
0x103: {  	[hbm4b:s24+s3] =	stream.linear.scatter [tilespmem:s10], [sflag:$0x2], $0x1400, $0x38;
	[tilespmem:$0xEF80] =	vst v63  }
0x104: {  	_ =	swait.ge [sflag:s18], $0x1400  }
0x105: {  	[sflag:s18] =	ssyncset.done $0x0  }
0x106: {  	s25 =	sadd.s32 $0x780, s21;
	[sflag:s18] =	ssyncadd.s32 $0xFFFFEC00  }
0x107: {  	[hbm4b:s25+s3] =	stream.linear.scatter [tilespmem:s11], [sflag:$0x2], $0x1400, $0x38;
	[tilespmem:$0xEF80] =	vst v63  }
0x108: {  	_ =	swait.ge [sflag:s18], $0x1400  }
0x109: {  	[sflag:s18] =	ssyncset.done $0x0  }
0x10a: {  	s26 =	sadd.s32 $0xA00, s21;
	[sflag:s18] =	ssyncadd.s32 $0xFFFFEC00  }
0x10b: {  	[hbm4b:s26+s3] =	stream.linear.scatter [tilespmem:s12], [sflag:$0x2], $0x1400, $0x38;
	[tilespmem:$0xEF80] =	vst v63  }
0x10c: {  	_ =	swait.ge [sflag:s18], $0x1400  }
0x10d: {  	[sflag:s18] =	ssyncset.done $0x0  }
0x10e: {  	s28 =	sadd.s32 $0xC80, s21;
	[sflag:s18] =	ssyncadd.s32 $0xFFFFEC00  }
0x10f: {  	[hbm4b:s28+s3] =	stream.linear.scatter [tilespmem:s13], [sflag:$0x2], $0x1400, $0x38;
	[tilespmem:$0xEF80] =	vst v63  }
0x110: {  	_ =	swait.ge [sflag:s18], $0x1400  }
0x111: {  	[sflag:s18] =	ssyncset.done $0x0  }
0x112: {  	s29 =	sadd.s32 $0xF00, s21;
	[sflag:s18] =	ssyncadd.s32 $0xFFFFEC00  }
0x113: {  	[hbm4b:s29+s3] =	stream.linear.scatter [tilespmem:s14], [sflag:$0x2], $0x1400, $0x38;
	[tilespmem:$0xEF80] =	vst v63  }
0x114: {  	_ =	swait.ge [sflag:s18], $0x1400  }
0x115: {  	[sflag:s18] =	ssyncset.done $0x0  }
0x116: {  	s30 =	sadd.s32 $0x1180, s21;
	[sflag:s18] =	ssyncadd.s32 $0xFFFFEC00  }
0x117: {  	[hbm4b:s30+s3] =	stream.linear.scatter [tilespmem:s15], [sflag:$0x2], $0x1400, $0x38;
	[tilespmem:$0xEF80] =	vst v63  }
0x118: {  	_ =	swait.ge [sflag:s18], $0x1400  }
0x119: {  	[sflag:s18] =	ssyncset.done $0x0  }
0x11a: {  	s31 =	sadd.s32 $0x1400, s21;
	[sflag:s18] =	ssyncadd.s32 $0xFFFFEC00  }
0x11b: {  	[hbm4b:s31+s3] =	stream.linear.scatter [tilespmem:s16], [sflag:$0x2], $0x1400, $0x38;
	[tilespmem:$0xEF80] =	vst v63  }
0x11c: {  	_ =	swait.ge [sflag:s18], $0x1400  }
0x11d: {  	[sflag:s18] =	ssyncset.done $0x0  }
0x11e: {  	s21 =	sadd.s32 $0x1680, s21;
	[sflag:s18] =	ssyncadd.s32 $0xFFFFEC00  }
0x11f: {  	[hbm4b:s21+s3] =	stream.linear.scatter [tilespmem:s17], [sflag:$0x2], $0x1400, $0x38;
	[tilespmem:$0xEF80] =	vst v63  }
0x120: {  	_ =	swait.ge [sflag:s19], $0x1400  }
0x121: {  	[sflag:s19] =	ssyncset.done $0x0  }
0x122: {  	[sflag:s19] =	ssyncadd.s32 $0xFFFFEC00  }
0x123: {  	_ =	swait.ge [sflag:s19], $0x1400  }
0x124: {  	[sflag:s19] =	ssyncset.done $0x0  }
0x125: {  	[sflag:s19] =	ssyncadd.s32 $0xFFFFEC00  }
0x126: {  	_ =	swait.ge [sflag:s19], $0x1400  }
0x127: {  	[sflag:s19] =	ssyncset.done $0x0  }
0x128: {  	[sflag:s19] =	ssyncadd.s32 $0xFFFFEC00  }
0x129: {  	_ =	swait.ge [sflag:s19], $0x1400  }
0x12a: {  	[sflag:s19] =	ssyncset.done $0x0  }
0x12b: {  	[sflag:s19] =	ssyncadd.s32 $0xFFFFEC00  }
0x12c: {  	_ =	swait.ge [sflag:s19], $0x1400  }
0x12d: {  	[sflag:s19] =	ssyncset.done $0x0  }
0x12e: {  	[sflag:s19] =	ssyncadd.s32 $0xFFFFEC00  }
0x12f: {  	_ =	swait.ge [sflag:s19], $0x1400  }
0x130: {  	[sflag:s19] =	ssyncset.done $0x0  }
0x131: {  	[sflag:s19] =	ssyncadd.s32 $0xFFFFEC00  }
0x132: {  	_ =	swait.ge [sflag:s19], $0x1400  }
0x133: {  	[sflag:s19] =	ssyncset.done $0x0  }
0x134: {  	[sflag:s19] =	ssyncadd.s32 $0xFFFFEC00  }
0x135: {  	_ =	swait.ge [sflag:s19], $0x1400  }
0x136: {  	[sflag:s19] =	ssyncset.done $0x0  }
0x137: {  	s20 =	sadd.s32 $0x1, s20;
	[sflag:s19] =	ssyncadd.s32 $0xFFFFEC00  }
0x138: {  	p0 =	sne.s32 s20, s5;
	_ =	swait.ge [sflag:s19], $0x1400  }
.Ltmp1:
0x139: {  	[sflag:s19] =	ssyncset.done $0x0;
	(pc) =	sbr.rel @p0 .LBB2_1-.Ltmp1, $4  }
0x13a: {  	[sflag:s19] =	ssyncadd.s32 $0xFFFFEC00  }
0x13b: {  	_ =	swait.ge [sflag:s19], $0x1400  }
0x13c: {  	[sflag:s19] =	ssyncset.done $0x0  }
0x13d: {  	[sflag:s19] =	ssyncadd.s32 $0xFFFFEC00  }
0x13e: {  	_ =	sfence.sel $0x180000  }
0x13f: {  	[bflag:$0x0] =	sbarrier.arrive $0xFFFF  }
0x140: {  	p0 =	sne.s32 s2, $0x0;
	_ =	strace $0x90000047  }
0x141: {  	s0 =	sadd.s32 @!p0 $0x100000, s0;
	[bflag:$0x2] =	sbarrier.arrive $0xFFFF  }
0x142: {  	[sflag:s0] =	ssyncadd.tile.s32 @!p0 $0x1;
	_ =	shalt  }
.Lfunc_end2:
_tile_overlayer_lowered:
.L_overlay_start_2:
0x143: {  	(tag) =	ssettag $0x2  }
0x144: {  	s0 =	rddreg [dreg:$0x0];
	s2 =	stileid.u32  }
0x145: {  	s1 =	rddreg [dreg:$0x1];
	p0 =	sne.s32 s2, $0x0  }
0x146: {  	s3 =	rddreg [dreg:$0x2];
	[bflag:$0x3] =	sbarrier.arrive $0xFFFF;
	s2 =	simm.s32 @!p0 $0x1C03  }
0x147: {  	[timem:s3], [sflag:s2] =	dma.local @!p0 [hbm:s0], s1  }
0x148: {  	s0 =	simm.s32 @!p0 $0x3  }
0x149: {  	_ =	swait.ge @!p0 [sflag:s0], s1  }
0x14a: {  	s1 =	ssub.s32 @!p0 $0x0, s1;
	[sflag:s0] =	ssyncset.done @!p0 $0x0  }
0x14b: {  	[sflag:s0] =	ssyncadd.s32 @!p0 s1  }
0x14c: {  	[bflag:$0x3] =	sbarrier.arrive $0xFFFF  }
0x14d: {  	_ =	shalt  }

</sc_bundles>
